<compile_context>
chip_gen: v7x
topology: tpu7x:2x2x1
jax: 0.10.2.dev20260603
libtpu: 0.0.44.dev20260713+nightly
codegen_flags: <defaults>
</compile_context>

<pallas_src>
import functools

import jax
import jax.numpy as jnp
from jax import lax
from jax.experimental import pallas as pl
from jax.experimental.pallas import tpu as pltpu
from jax.experimental.pallas import tpu_sc as plsc

_NC = 2
_NS = 16
_NW = _NC * _NS
_L = 16


def _nrsqrt(x):
    x = jnp.maximum(x, 1e-30)
    i = lax.bitcast_convert_type(x, jnp.int32)
    y = lax.bitcast_convert_type(0x5F3759DF - (i >> 1), jnp.float32)
    for _ in range(3):
        y = y * (1.5 - 0.5 * x * y * y)
    return y


def _make_smooth_kernel(n_rows, c, t):
    rows_w = n_rows // _NW
    nvr = c // _L
    chunks = rows_w // _L
    mesh = plsc.VectorSubcoreMesh(core_axis_name="c", subcore_axis_name="s")

    pad = 8

    @functools.partial(
        pl.kernel, mesh=mesh,
        compiler_params=pltpu.CompilerParams(use_tc_tiling_on_sc=True,
                                             needs_layout_passes=False),
        out_type=jax.ShapeDtypeStruct((_NW, 1, _L), jnp.float32),
        scratch_types=[
            pltpu.VMEM((rows_w + pad, c), jnp.float32),
            pltpu.VMEM((1, _L), jnp.float32),
        ],
    )
    def smooth(z_hbm, out_hbm, z_v, acc_v):
        wid = lax.axis_index("s") * _NC + lax.axis_index("c")
        bb = wid // 2
        half = wid % 2
        base = bb * t + half * rows_w

        @pl.when(half == 0)
        def _():
            pltpu.sync_copy(z_hbm.at[bb, pl.ds(0, rows_w)],
                            z_v.at[pl.ds(pad, rows_w)])

        @pl.when(half == 1)
        def _():
            pltpu.sync_copy(z_hbm.at[bb, pl.ds(rows_w - pad, rows_w + pad)],
                            z_v)

        iota = lax.iota(jnp.int32, _L)
        zero = jnp.zeros((_L,), jnp.float32)

        @plsc.parallel_loop(0, chunks, carry=zero)
        def acc(j, acc_in):
            rowbase = j * _L
            vr = [[z_v[pad + rowbase + r, pl.ds(v * _L, _L)]
                   for v in range(nvr)] for r in range(-1, _L)]
            rs = [jnp.sum(functools.reduce(lambda a, b: a + b,
                                           [x * x for x in row]))
                  for row in vr]
            dd = [jnp.sum(functools.reduce(lambda a, b: a + b,
                                           [x * y for x, y in
                                            zip(vr[r + 1], vr[r])]))
                  for r in range(_L)]
            rs_c, rs_p, d_vec = zero, zero, zero
            for r in range(_L):
                lane = iota == r
                rs_c = jnp.where(lane, rs[r + 1], rs_c)
                rs_p = jnp.where(lane, rs[r], rs_p)
                d_vec = jnp.where(lane, dd[r], d_vec)
            ri_c = jnp.minimum(_nrsqrt(rs_c), 1e12)
            ri_p = jnp.minimum(_nrsqrt(rs_p), 1e12)
            pair = (rs_c * ri_c * ri_c + rs_p * ri_p * ri_p
                    - 2.0 * d_vec * ri_c * ri_p)
            rowid = base + rowbase + iota
            return acc_in + jnp.where((rowid % t) != 0, pair, 0.0)

        acc_v[0, :] = acc
        pltpu.sync_copy(acc_v, out_hbm.at[wid])

    return smooth


def _vq_block(z_ref, e_ref, lp_ref, com_ref):
    i = pl.program_id(0)
    z = z_ref[...]
    e = e_ref[...]

    c = z.shape[1]
    k = e.shape[0]
    dims = (((1,), (1,)), ((), ()))

    rs = jax.lax.dot_general(z * z, jnp.ones((1, c), jnp.float32), dims,
                             preferred_element_type=jnp.float32)
    rinv = 1.0 / jnp.maximum(jnp.sqrt(rs), 1e-12)
    zn = z * rinv
    zn2 = rs * rinv * rinv

    e2 = jax.lax.dot_general(e * e, jnp.ones((1, c), jnp.float32), dims,
                             preferred_element_type=jnp.float32)
    ea = jnp.concatenate([e + e, e2], axis=1)
    zna = jnp.concatenate([zn, jnp.full((zn.shape[0], 1), -1.0,
                                        jnp.float32)], axis=1)
    scores = jax.lax.dot_general(zna, ea, dims,
                                 preferred_element_type=jnp.float32)
    m = jnp.max(scores, axis=1, keepdims=True)
    se = jax.lax.dot_general(jnp.exp(scores), jnp.ones((1, k), jnp.float32),
                             dims, preferred_element_type=jnp.float32)
    lse = jnp.log(se)
    lp_ref[...] = scores - lse

    com = jnp.sum(zn2 - m)

    @pl.when(i == 0)
    def _init():
        com_ref[...] = jnp.zeros_like(com_ref)

    com_ref[...] = com_ref[...] + com


def kernel(z, mask, codebook_weight):
    b, t, c = z.shape
    e = codebook_weight[1:, :]
    k = e.shape[0]
    z2d = z.reshape(b * t, c)
    R = 2048
    nblk = (b * t) // R

    smooth_fn = _make_smooth_kernel(b * t, c, t)

    lp, com = pl.pallas_call(
        _vq_block,
        grid=(nblk,),
        in_specs=[
            pl.BlockSpec((R, c), lambda i: (i, 0)),
            pl.BlockSpec((k, c), lambda i: (0, 0)),
        ],
        out_specs=[
            pl.BlockSpec((R, k), lambda i: (i, 0)),
            pl.BlockSpec((1, 1), lambda i: (0, 0)),
        ],
        out_shape=[
            jax.ShapeDtypeStruct((b * t, k), jnp.float32),
            jax.ShapeDtypeStruct((1, 1), jnp.float32),
        ],
    )(z2d, e)

    sm_parts = smooth_fn(z)

    valid = jnp.float32(b * t * c)
    smoothness_loss = jnp.sum(sm_parts) / valid
    commitment_loss = com[0, 0] / valid
    log_probs = lp.reshape(b, t, k)
    return (smoothness_loss, commitment_loss, log_probs)

# --- scband reference (transcript-rebuilt; emitter-appended) ---
"""Pipeline reference for scband-tokenizer-84396107366908 (READ-ONLY COPY).

The authoritative reference and input builder live on the scoring server;
editing this copy changes nothing except your own understanding.
"""

import jax, jax.numpy as jnp
import numpy as np

TEMP = 1.0

def setup_inputs(seed: int = 0) -> dict:
    key = jax.random.key(seed)
    k1, k2 = jax.random.split(key)
    z = jax.random.normal(k1, (16, 1024, 64), dtype=jnp.float32)
    mask = jnp.ones((16, 1024, 1), dtype=jnp.float32)
    codebook_weight = jax.random.normal(k2, (1025, 64), dtype=jnp.float32) * 0.02
    return {"z": z, "mask": mask, "codebook_weight": codebook_weight}

def reference(z, mask, codebook_weight):
    # e = codebook.embedding.weight.clone().detach()[1:, :]
    e = jax.lax.stop_gradient(codebook_weight)[1:, :]
    b, t, c = z.shape
    # F.normalize(z, dim=-1)
    z = z / jnp.clip(jnp.linalg.norm(z, axis=-1, keepdims=True), 1e-12, None)
    z_flat = z.reshape(-1, c)
    # squared-euclidean distance to codebook
    d = (jnp.sum(z_flat ** 2, axis=1, keepdims=True)
         - 2.0 * (z_flat @ e.T)
         + jnp.sum(e ** 2, axis=1, keepdims=True).T)
    log_probs = jax.nn.log_softmax(-d.reshape(b, t, -1) / TEMP, axis=-1)
    # argmin -> one-hot scatter (torch scatter_ overwrite)
    min_idx = jnp.argmin(d, axis=1)
    min_enc = jnp.zeros((z_flat.shape[0], e.shape[0]), dtype=z.dtype)
    min_enc = min_enc.at[jnp.arange(z_flat.shape[0]), min_idx].set(1.0)
    z_q = (min_enc @ e).reshape(b, t, c) * mask
    valid_count = mask.sum() * c
    commitment_loss = (((z - jax.lax.stop_gradient(z_q)) ** 2) * mask).sum() / valid_count
    smoothness_loss = (((z[:, :-1, :] - z[:, 1:, :]) ** 2) * mask[:, 1:, :]).sum() / valid_count
    # reinforce path (beam_search + external Scorer + regex string ops) is not
    # expressible as tensor math; return log_probs which feed it instead.
    return (smoothness_loss, commitment_loss, log_probs)

if __name__ == "__main__":
    import jax
    _d = setup_inputs()
    print(jax.jit(kernel)(*tuple(_d.values())))

</pallas_src>

<mosaic_0001>
#map = affine_map<(d0, d1) -> (0, 0, 0)>
module attributes {stable_mosaic.version = 14 : i64} {
  func.func @smooth(%arg0: i32, %arg1: i32, %arg2: memref<16x1024x64xf32, #tpu.memory_space<hbm>>, %arg3: memref<32x1x16xf32, #tpu.memory_space<hbm>>, %arg4: memref<520x64xf32, #tpu.memory_space<vmem>>, %arg5: memref<1x16xf32, #tpu.memory_space<vmem>>) attributes {dimension_semantics = [#tpu.dimension_semantics<core_parallel>, #tpu.dimension_semantics<subcore_parallel>], iteration_bounds = array<i64: 2, 16>, scalar_prefetch = 0 : i64, scratch_operands = 2 : i64, tpu.core_type = #tpu.core_type<sc_vector_subcore>, window_params = [{transform_indices = #map}, {transform_indices = #map}]} {
    %mul3A = arith.constant 2 : i32
    %mul3A_0 = arith.muli %arg1, %mul3A : i32
    %add3A = arith.addi %mul3A_0, %arg0 : i32
    %jit3A = arith.constant 2 : i32
    %div3A = arith.divsi %add3A, %jit3A : i32
    %sign3A = arith.constant 0 : i32
    %sign3A_1 = arith.cmpi sgt, %add3A, %sign3A : i32
    %sign3A_2 = arith.extui %sign3A_1 : i1 to i32
    %sign3A_3 = arith.constant 0 : i32
    %sign3A_4 = arith.cmpi slt, %add3A, %sign3A_3 : i32
    %sign3A_5 = arith.extui %sign3A_4 : i1 to i32
    %sign3A_6 = arith.subi %sign3A_2, %sign3A_5 : i32
    %sign3A_7 = arith.constant 0 : i32
    %sign3A_8 = arith.cmpi sgt, %jit3A, %sign3A_7 : i32
    %sign3A_9 = arith.extui %sign3A_8 : i1 to i32
    %sign3A_10 = arith.constant 0 : i32
    %sign3A_11 = arith.cmpi slt, %jit3A, %sign3A_10 : i32
    %sign3A_12 = arith.extui %sign3A_11 : i1 to i32
    %sign3A_13 = arith.subi %sign3A_9, %sign3A_12 : i32
    %ne3A = arith.cmpi ne, %sign3A_6, %sign3A_13 : i32
    %rem3A = arith.remsi %add3A, %jit3A : i32
    %ne3A_14 = arith.constant 0 : i32
    %ne3A_15 = arith.cmpi ne, %rem3A, %ne3A_14 : i32
    %and3A = arith.andi %ne3A, %ne3A_15 : i1
    %sub3A = arith.constant 1 : i32
    %sub3A_16 = arith.subi %div3A, %sub3A : i32
    %select_n3A = arith.select %and3A, %sub3A_16, %div3A : i32
    %jit3A_17 = arith.constant 2 : i32
    %eq3A = arith.constant 0 : i32
    %eq3A_18 = arith.cmpi eq, %jit3A_17, %eq3A : i32
    %jit3A_19 = arith.constant 1 : i32
    %select_n3A_20 = arith.select %eq3A_18, %jit3A_19, %jit3A_17 : i32
    %rem3A_21 = arith.remsi %add3A, %select_n3A_20 : i32
    %ne3A_22 = arith.constant 0 : i32
    %ne3A_23 = arith.cmpi ne, %rem3A_21, %ne3A_22 : i32
    %lt3A = arith.constant 0 : i32
    %lt3A_24 = arith.cmpi slt, %rem3A_21, %lt3A : i32
    %lt3A_25 = arith.constant 0 : i32
    %lt3A_26 = arith.cmpi slt, %select_n3A_20, %lt3A_25 : i32
    %ne3A_27 = arith.xori %lt3A_24, %lt3A_26 : i1
    %and3A_28 = arith.andi %ne3A_27, %ne3A_23 : i1
    %add3A_29 = arith.addi %rem3A_21, %select_n3A_20 : i32
    %select_n3A_30 = arith.select %and3A_28, %add3A_29, %rem3A_21 : i32
    %mul3A_31 = arith.constant 1024 : i32
    %mul3A_32 = arith.muli %select_n3A, %mul3A_31 : i32
    %mul3A_33 = arith.constant 512 : i32
    %mul3A_34 = arith.muli %select_n3A_30, %mul3A_33 : i32
    %add3A_35 = arith.addi %mul3A_32, %mul3A_34 : i32
    %eq3A_36 = arith.constant 0 : i32
    %eq3A_37 = arith.cmpi eq, %select_n3A_30, %eq3A_36 : i32
    %convert_element_type3A = arith.extui %eq3A_37 : i1 to i32
    %cond3A = arith.constant 0 : i32
    %cond3A_38 = arith.cmpi ne, %convert_element_type3A, %cond3A : i32
    scf.if %cond3A_38 {
      "tpu.region"() ({
        %run_scoped3A = tpu.sem_alloc : memref<!tpu.dma_semaphore, #tpu.memory_space<semaphore_mem>>
        %dma_start3A = arith.constant 8 : i32
        %dma_start3A_51 = arith.constant 0 : i32
        %dma_start3A_52 = tpu.memref_slice %arg4[%dma_start3A, %dma_start3A_51] : memref<520x64xf32, #tpu.memory_space<vmem>> -> memref<512x64xf32, #tpu.memory_space<vmem>>
        %dma_start3A_53 = arith.constant 0 : i32
        %dma_start3A_54 = arith.constant 0 : i32
        %dma_start3A_55 = tpu.memref_slice %arg2[%select_n3A, %dma_start3A_53, %dma_start3A_54] : memref<16x1024x64xf32, #tpu.memory_space<hbm>> -> memref<1x512x64xf32, #tpu.memory_space<hbm>>
        %dma_start3A_56 = tpu.memref_squeeze %dma_start3A_55 : memref<1x512x64xf32, #tpu.memory_space<hbm>> -> memref<512x64xf32, #tpu.memory_space<hbm>>
        %dma_start3A_57 = arith.constant 8 : i32
        %dma_start3A_58 = arith.constant 0 : i32
        %dma_start3A_59 = tpu.memref_slice %arg4[%dma_start3A_57, %dma_start3A_58] : memref<520x64xf32, #tpu.memory_space<vmem>> -> memref<512x64xf32, #tpu.memory_space<vmem>>
        %dma_start3A_60 = arith.constant 0 : i32
        %dma_start3A_61 = arith.constant 0 : i32
        %dma_start3A_62 = tpu.memref_slice %arg2[%select_n3A, %dma_start3A_60, %dma_start3A_61] : memref<16x1024x64xf32, #tpu.memory_space<hbm>> -> memref<1x512x64xf32, #tpu.memory_space<hbm>>
        %dma_start3A_63 = tpu.memref_squeeze %dma_start3A_62 : memref<1x512x64xf32, #tpu.memory_space<hbm>> -> memref<512x64xf32, #tpu.memory_space<hbm>>
        tpu.enqueue_dma source(%dma_start3A_63 : memref<512x64xf32, #tpu.memory_space<hbm>>) target(%dma_start3A_59 : memref<512x64xf32, #tpu.memory_space<vmem>>) target_semaphore(%run_scoped3A : memref<!tpu.dma_semaphore, #tpu.memory_space<semaphore_mem>>)
        %dma_wait3A = arith.constant 8 : i32
        %dma_wait3A_64 = arith.constant 0 : i32
        %dma_wait3A_65 = tpu.memref_slice %arg4[%dma_wait3A, %dma_wait3A_64] : memref<520x64xf32, #tpu.memory_space<vmem>> -> memref<512x64xf32, #tpu.memory_space<vmem>>
        %dma_wait3A_66 = arith.constant 0 : i32
        %dma_wait3A_67 = arith.constant 0 : i32
        %dma_wait3A_68 = tpu.memref_slice %arg2[%select_n3A, %dma_wait3A_66, %dma_wait3A_67] : memref<16x1024x64xf32, #tpu.memory_space<hbm>> -> memref<1x512x64xf32, #tpu.memory_space<hbm>>
        %dma_wait3A_69 = tpu.memref_squeeze %dma_wait3A_68 : memref<1x512x64xf32, #tpu.memory_space<hbm>> -> memref<512x64xf32, #tpu.memory_space<hbm>>
        %dma_wait3A_70 = arith.constant 8 : i32
        %dma_wait3A_71 = arith.constant 0 : i32
        %dma_wait3A_72 = tpu.memref_slice %arg4[%dma_wait3A_70, %dma_wait3A_71] : memref<520x64xf32, #tpu.memory_space<vmem>> -> memref<512x64xf32, #tpu.memory_space<vmem>>
        %dma_wait3A_73 = arith.constant 0 : i32
        %dma_wait3A_74 = arith.constant 0 : i32
        %dma_wait3A_75 = tpu.memref_slice %arg2[%select_n3A, %dma_wait3A_73, %dma_wait3A_74] : memref<16x1024x64xf32, #tpu.memory_space<hbm>> -> memref<1x512x64xf32, #tpu.memory_space<hbm>>
        %dma_wait3A_76 = tpu.memref_squeeze %dma_wait3A_75 : memref<1x512x64xf32, #tpu.memory_space<hbm>> -> memref<512x64xf32, #tpu.memory_space<hbm>>
        tpu.wait_dma2 semaphore(%run_scoped3A : memref<!tpu.dma_semaphore, #tpu.memory_space<semaphore_mem>>) src(%dma_wait3A_76 : memref<512x64xf32, #tpu.memory_space<hbm>>) dst(%dma_wait3A_72 : memref<512x64xf32, #tpu.memory_space<vmem>>)
        tpu.yield
      }) : () -> ()
    } else {
    }
    %eq3A_39 = arith.constant 1 : i32
    %eq3A_40 = arith.cmpi eq, %select_n3A_30, %eq3A_39 : i32
    %convert_element_type3A_41 = arith.extui %eq3A_40 : i1 to i32
    %cond3A_42 = arith.constant 0 : i32
    %cond3A_43 = arith.cmpi ne, %convert_element_type3A_41, %cond3A_42 : i32
    scf.if %cond3A_43 {
      "tpu.region"() ({
        %run_scoped3A = tpu.sem_alloc : memref<!tpu.dma_semaphore, #tpu.memory_space<semaphore_mem>>
        %dma_start3A = arith.constant 504 : i32
        %dma_start3A_51 = arith.constant 0 : i32
        %dma_start3A_52 = tpu.memref_slice %arg2[%select_n3A, %dma_start3A, %dma_start3A_51] : memref<16x1024x64xf32, #tpu.memory_space<hbm>> -> memref<1x520x64xf32, #tpu.memory_space<hbm>>
        %dma_start3A_53 = tpu.memref_squeeze %dma_start3A_52 : memref<1x520x64xf32, #tpu.memory_space<hbm>> -> memref<520x64xf32, #tpu.memory_space<hbm>>
        %dma_start3A_54 = arith.constant 504 : i32
        %dma_start3A_55 = arith.constant 0 : i32
        %dma_start3A_56 = tpu.memref_slice %arg2[%select_n3A, %dma_start3A_54, %dma_start3A_55] : memref<16x1024x64xf32, #tpu.memory_space<hbm>> -> memref<1x520x64xf32, #tpu.memory_space<hbm>>
        %dma_start3A_57 = tpu.memref_squeeze %dma_start3A_56 : memref<1x520x64xf32, #tpu.memory_space<hbm>> -> memref<520x64xf32, #tpu.memory_space<hbm>>
        tpu.enqueue_dma source(%dma_start3A_57 : memref<520x64xf32, #tpu.memory_space<hbm>>) target(%arg4 : memref<520x64xf32, #tpu.memory_space<vmem>>) target_semaphore(%run_scoped3A : memref<!tpu.dma_semaphore, #tpu.memory_space<semaphore_mem>>)
        %dma_wait3A = arith.constant 504 : i32
        %dma_wait3A_58 = arith.constant 0 : i32
        %dma_wait3A_59 = tpu.memref_slice %arg2[%select_n3A, %dma_wait3A, %dma_wait3A_58] : memref<16x1024x64xf32, #tpu.memory_space<hbm>> -> memref<1x520x64xf32, #tpu.memory_space<hbm>>
        %dma_wait3A_60 = tpu.memref_squeeze %dma_wait3A_59 : memref<1x520x64xf32, #tpu.memory_space<hbm>> -> memref<520x64xf32, #tpu.memory_space<hbm>>
        %dma_wait3A_61 = arith.constant 504 : i32
        %dma_wait3A_62 = arith.constant 0 : i32
        %dma_wait3A_63 = tpu.memref_slice %arg2[%select_n3A, %dma_wait3A_61, %dma_wait3A_62] : memref<16x1024x64xf32, #tpu.memory_space<hbm>> -> memref<1x520x64xf32, #tpu.memory_space<hbm>>
        %dma_wait3A_64 = tpu.memref_squeeze %dma_wait3A_63 : memref<1x520x64xf32, #tpu.memory_space<hbm>> -> memref<520x64xf32, #tpu.memory_space<hbm>>
        tpu.wait_dma2 semaphore(%run_scoped3A : memref<!tpu.dma_semaphore, #tpu.memory_space<semaphore_mem>>) src(%dma_wait3A_64 : memref<520x64xf32, #tpu.memory_space<hbm>>) dst(%arg4 : memref<520x64xf32, #tpu.memory_space<vmem>>)
        tpu.yield
      }) : () -> ()
    } else {
    }
    %iota3A = tpu.iota {dimensions = array<i32: 0>} : vector<16xi32>
    %broadcast_in_dim3A = arith.constant 0.000000e+00 : f32
    %broadcast_in_dim3A_44 = vector.broadcast %broadcast_in_dim3A : f32 to vector<16xf32>
    %parallel_loop3A = arith.constant 0 : i32
    %parallel_loop3A_45 = arith.constant 32 : i32
    %parallel_loop3A_46 = arith.constant 1 : i32
    %parallel_loop3A_47 = scf.for %parallel_loop3A_51 = %parallel_loop3A to %parallel_loop3A_45 step %parallel_loop3A_46 iter_args(%parallel_loop3A_52 = %broadcast_in_dim3A_44) -> (vector<16xf32>)  : i32 {
      %parallel_loop3A_53 = arith.constant 16 : i32
      %parallel_loop3A_54 = arith.muli %parallel_loop3A_51, %parallel_loop3A_53 : i32
      %parallel_loop3A_55 = arith.constant 8 : i32
      %parallel_loop3A_56 = arith.addi %parallel_loop3A_55, %parallel_loop3A_54 : i32
      %parallel_loop3A_57 = arith.constant -1 : i32
      %parallel_loop3A_58 = arith.addi %parallel_loop3A_56, %parallel_loop3A_57 : i32
      %parallel_loop3A_59 = arith.index_cast %parallel_loop3A_58 : i32 to index
      %parallel_loop3A_60 = arith.constant 0 : index
      %parallel_loop3A_61 = tpu.vector_load %arg4[%parallel_loop3A_59, %parallel_loop3A_60] {strides = array<i32>} : memref<520x64xf32, #tpu.memory_space<vmem>>, vector<16xf32>,
      %parallel_loop3A_62 = arith.constant 8 : i32
      %parallel_loop3A_63 = arith.addi %parallel_loop3A_62, %parallel_loop3A_54 : i32
      %parallel_loop3A_64 = arith.constant -1 : i32
      %parallel_loop3A_65 = arith.addi %parallel_loop3A_63, %parallel_loop3A_64 : i32
      %parallel_loop3A_66 = arith.index_cast %parallel_loop3A_65 : i32 to index
      %parallel_loop3A_67 = arith.constant 16 : index
      %parallel_loop3A_68 = tpu.vector_load %arg4[%parallel_loop3A_66, %parallel_loop3A_67] {strides = array<i32>} : memref<520x64xf32, #tpu.memory_space<vmem>>, vector<16xf32>,
      %parallel_loop3A_69 = arith.constant 8 : i32
      %parallel_loop3A_70 = arith.addi %parallel_loop3A_69, %parallel_loop3A_54 : i32
      %parallel_loop3A_71 = arith.constant -1 : i32
      %parallel_loop3A_72 = arith.addi %parallel_loop3A_70, %parallel_loop3A_71 : i32
      %parallel_loop3A_73 = arith.index_cast %parallel_loop3A_72 : i32 to index
      %parallel_loop3A_74 = arith.constant 32 : index
      %parallel_loop3A_75 = tpu.vector_load %arg4[%parallel_loop3A_73, %parallel_loop3A_74] {strides = array<i32>} : memref<520x64xf32, #tpu.memory_space<vmem>>, vector<16xf32>,
      %parallel_loop3A_76 = arith.constant 8 : i32
      %parallel_loop3A_77 = arith.addi %parallel_loop3A_76, %parallel_loop3A_54 : i32
      %parallel_loop3A_78 = arith.constant -1 : i32
      %parallel_loop3A_79 = arith.addi %parallel_loop3A_77, %parallel_loop3A_78 : i32
      %parallel_loop3A_80 = arith.index_cast %parallel_loop3A_79 : i32 to index
      %parallel_loop3A_81 = arith.constant 48 : index
      %parallel_loop3A_82 = tpu.vector_load %arg4[%parallel_loop3A_80, %parallel_loop3A_81] {strides = array<i32>} : memref<520x64xf32, #tpu.memory_space<vmem>>, vector<16xf32>,
      %parallel_loop3A_83 = arith.constant 8 : i32
      %parallel_loop3A_84 = arith.addi %parallel_loop3A_83, %parallel_loop3A_54 : i32
      %parallel_loop3A_85 = arith.constant 0 : i32
      %parallel_loop3A_86 = arith.addi %parallel_loop3A_84, %parallel_loop3A_85 : i32
      %parallel_loop3A_87 = arith.index_cast %parallel_loop3A_86 : i32 to index
      %parallel_loop3A_88 = arith.constant 0 : index
      %parallel_loop3A_89 = tpu.vector_load %arg4[%parallel_loop3A_87, %parallel_loop3A_88] {strides = array<i32>} : memref<520x64xf32, #tpu.memory_space<vmem>>, vector<16xf32>,
      %parallel_loop3A_90 = arith.constant 8 : i32
      %parallel_loop3A_91 = arith.addi %parallel_loop3A_90, %parallel_loop3A_54 : i32
      %parallel_loop3A_92 = arith.constant 0 : i32
      %parallel_loop3A_93 = arith.addi %parallel_loop3A_91, %parallel_loop3A_92 : i32
      %parallel_loop3A_94 = arith.index_cast %parallel_loop3A_93 : i32 to index
      %parallel_loop3A_95 = arith.constant 16 : index
      %parallel_loop3A_96 = tpu.vector_load %arg4[%parallel_loop3A_94, %parallel_loop3A_95] {strides = array<i32>} : memref<520x64xf32, #tpu.memory_space<vmem>>, vector<16xf32>,
      %parallel_loop3A_97 = arith.constant 8 : i32
      %parallel_loop3A_98 = arith.addi %parallel_loop3A_97, %parallel_loop3A_54 : i32
      %parallel_loop3A_99 = arith.constant 0 : i32
      %parallel_loop3A_100 = arith.addi %parallel_loop3A_98, %parallel_loop3A_99 : i32
      %parallel_loop3A_101 = arith.index_cast %parallel_loop3A_100 : i32 to index
      %parallel_loop3A_102 = arith.constant 32 : index
      %parallel_loop3A_103 = tpu.vector_load %arg4[%parallel_loop3A_101, %parallel_loop3A_102] {strides = array<i32>} : memref<520x64xf32, #tpu.memory_space<vmem>>, vector<16xf32>,
      %parallel_loop3A_104 = arith.constant 8 : i32
      %parallel_loop3A_105 = arith.addi %parallel_loop3A_104, %parallel_loop3A_54 : i32
      %parallel_loop3A_106 = arith.constant 0 : i32
      %parallel_loop3A_107 = arith.addi %parallel_loop3A_105, %parallel_loop3A_106 : i32
      %parallel_loop3A_108 = arith.index_cast %parallel_loop3A_107 : i32 to index
      %parallel_loop3A_109 = arith.constant 48 : index
      %parallel_loop3A_110 = tpu.vector_load %arg4[%parallel_loop3A_108, %parallel_loop3A_109] {strides = array<i32>} : memref<520x64xf32, #tpu.memory_space<vmem>>, vector<16xf32>,
      %parallel_loop3A_111 = arith.constant 8 : i32
      %parallel_loop3A_112 = arith.addi %parallel_loop3A_111, %parallel_loop3A_54 : i32
      %parallel_loop3A_113 = arith.constant 1 : i32
      %parallel_loop3A_114 = arith.addi %parallel_loop3A_112, %parallel_loop3A_113 : i32
      %parallel_loop3A_115 = arith.index_cast %parallel_loop3A_114 : i32 to index
      %parallel_loop3A_116 = arith.constant 0 : index
      %parallel_loop3A_117 = tpu.vector_load %arg4[%parallel_loop3A_115, %parallel_loop3A_116] {strides = array<i32>} : memref<520x64xf32, #tpu.memory_space<vmem>>, vector<16xf32>,
      %parallel_loop3A_118 = arith.constant 8 : i32
      %parallel_loop3A_119 = arith.addi %parallel_loop3A_118, %parallel_loop3A_54 : i32
      %parallel_loop3A_120 = arith.constant 1 : i32
      %parallel_loop3A_121 = arith.addi %parallel_loop3A_119, %parallel_loop3A_120 : i32
      %parallel_loop3A_122 = arith.index_cast %parallel_loop3A_121 : i32 to index
      %parallel_loop3A_123 = arith.constant 16 : index
      %parallel_loop3A_124 = tpu.vector_load %arg4[%parallel_loop3A_122, %parallel_loop3A_123] {strides = array<i32>} : memref<520x64xf32, #tpu.memory_space<vmem>>, vector<16xf32>,
      %parallel_loop3A_125 = arith.constant 8 : i32
      %parallel_loop3A_126 = arith.addi %parallel_loop3A_125, %parallel_loop3A_54 : i32
      %parallel_loop3A_127 = arith.constant 1 : i32
      %parallel_loop3A_128 = arith.addi %parallel_loop3A_126, %parallel_loop3A_127 : i32
      %parallel_loop3A_129 = arith.index_cast %parallel_loop3A_128 : i32 to index
      %parallel_loop3A_130 = arith.constant 32 : index
      %parallel_loop3A_131 = tpu.vector_load %arg4[%parallel_loop3A_129, %parallel_loop3A_130] {strides = array<i32>} : memref<520x64xf32, #tpu.memory_space<vmem>>, vector<16xf32>,
      %parallel_loop3A_132 = arith.constant 8 : i32
      %parallel_loop3A_133 = arith.addi %parallel_loop3A_132, %parallel_loop3A_54 : i32
      %parallel_loop3A_134 = arith.constant 1 : i32
      %parallel_loop3A_135 = arith.addi %parallel_loop3A_133, %parallel_loop3A_134 : i32
      %parallel_loop3A_136 = arith.index_cast %parallel_loop3A_135 : i32 to index
      %parallel_loop3A_137 = arith.constant 48 : index
      %parallel_loop3A_138 = tpu.vector_load %arg4[%parallel_loop3A_136, %parallel_loop3A_137] {strides = array<i32>} : memref<520x64xf32, #tpu.memory_space<vmem>>, vector<16xf32>,
      %parallel_loop3A_139 = arith.constant 8 : i32
      %parallel_loop3A_140 = arith.addi %parallel_loop3A_139, %parallel_loop3A_54 : i32
      %parallel_loop3A_141 = arith.constant 2 : i32
      %parallel_loop3A_142 = arith.addi %parallel_loop3A_140, %parallel_loop3A_141 : i32
      %parallel_loop3A_143 = arith.index_cast %parallel_loop3A_142 : i32 to index
      %parallel_loop3A_144 = arith.constant 0 : index
      %parallel_loop3A_145 = tpu.vector_load %arg4[%parallel_loop3A_143, %parallel_loop3A_144] {strides = array<i32>} : memref<520x64xf32, #tpu.memory_space<vmem>>, vector<16xf32>,
      %parallel_loop3A_146 = arith.constant 8 : i32
      %parallel_loop3A_147 = arith.addi %parallel_loop3A_146, %parallel_loop3A_54 : i32
      %parallel_loop3A_148 = arith.constant 2 : i32
      %parallel_loop3A_149 = arith.addi %parallel_loop3A_147, %parallel_loop3A_148 : i32
      %parallel_loop3A_150 = arith.index_cast %parallel_loop3A_149 : i32 to index
      %parallel_loop3A_151 = arith.constant 16 : index
      %parallel_loop3A_152 = tpu.vector_load %arg4[%parallel_loop3A_150, %parallel_loop3A_151] {strides = array<i32>} : memref<520x64xf32, #tpu.memory_space<vmem>>, vector<16xf32>,
      %parallel_loop3A_153 = arith.constant 8 : i32
      %parallel_loop3A_154 = arith.addi %parallel_loop3A_153, %parallel_loop3A_54 : i32
      %parallel_loop3A_155 = arith.constant 2 : i32
      %parallel_loop3A_156 = arith.addi %parallel_loop3A_154, %parallel_loop3A_155 : i32
      %parallel_loop3A_157 = arith.index_cast %parallel_loop3A_156 : i32 to index
      %parallel_loop3A_158 = arith.constant 32 : index
      %parallel_loop3A_159 = tpu.vector_load %arg4[%parallel_loop3A_157, %parallel_loop3A_158] {strides = array<i32>} : memref<520x64xf32, #tpu.memory_space<vmem>>, vector<16xf32>,
      %parallel_loop3A_160 = arith.constant 8 : i32
      %parallel_loop3A_161 = arith.addi %parallel_loop3A_160, %parallel_loop3A_54 : i32
      %parallel_loop3A_162 = arith.constant 2 : i32
      %parallel_loop3A_163 = arith.addi %parallel_loop3A_161, %parallel_loop3A_162 : i32
      %parallel_loop3A_164 = arith.index_cast %parallel_loop3A_163 : i32 to index
      %parallel_loop3A_165 = arith.constant 48 : index
      %parallel_loop3A_166 = tpu.vector_load %arg4[%parallel_loop3A_164, %parallel_loop3A_165] {strides = array<i32>} : memref<520x64xf32, #tpu.memory_space<vmem>>, vector<16xf32>,
      %parallel_loop3A_167 = arith.constant 8 : i32
      %parallel_loop3A_168 = arith.addi %parallel_loop3A_167, %parallel_loop3A_54 : i32
      %parallel_loop3A_169 = arith.constant 3 : i32
      %parallel_loop3A_170 = arith.addi %parallel_loop3A_168, %parallel_loop3A_169 : i32
      %parallel_loop3A_171 = arith.index_cast %parallel_loop3A_170 : i32 to index
      %parallel_loop3A_172 = arith.constant 0 : index
      %parallel_loop3A_173 = tpu.vector_load %arg4[%parallel_loop3A_171, %parallel_loop3A_172] {strides = array<i32>} : memref<520x64xf32, #tpu.memory_space<vmem>>, vector<16xf32>,
      %parallel_loop3A_174 = arith.constant 8 : i32
      %parallel_loop3A_175 = arith.addi %parallel_loop3A_174, %parallel_loop3A_54 : i32
      %parallel_loop3A_176 = arith.constant 3 : i32
      %parallel_loop3A_177 = arith.addi %parallel_loop3A_175, %parallel_loop3A_176 : i32
      %parallel_loop3A_178 = arith.index_cast %parallel_loop3A_177 : i32 to index
      %parallel_loop3A_179 = arith.constant 16 : index
      %parallel_loop3A_180 = tpu.vector_load %arg4[%parallel_loop3A_178, %parallel_loop3A_179] {strides = array<i32>} : memref<520x64xf32, #tpu.memory_space<vmem>>, vector<16xf32>,
      %parallel_loop3A_181 = arith.constant 8 : i32
      %parallel_loop3A_182 = arith.addi %parallel_loop3A_181, %parallel_loop3A_54 : i32
      %parallel_loop3A_183 = arith.constant 3 : i32
      %parallel_loop3A_184 = arith.addi %parallel_loop3A_182, %parallel_loop3A_183 : i32
      %parallel_loop3A_185 = arith.index_cast %parallel_loop3A_184 : i32 to index
      %parallel_loop3A_186 = arith.constant 32 : index
      %parallel_loop3A_187 = tpu.vector_load %arg4[%parallel_loop3A_185, %parallel_loop3A_186] {strides = array<i32>} : memref<520x64xf32, #tpu.memory_space<vmem>>, vector<16xf32>,
      %parallel_loop3A_188 = arith.constant 8 : i32
      %parallel_loop3A_189 = arith.addi %parallel_loop3A_188, %parallel_loop3A_54 : i32
      %parallel_loop3A_190 = arith.constant 3 : i32
      %parallel_loop3A_191 = arith.addi %parallel_loop3A_189, %parallel_loop3A_190 : i32
      %parallel_loop3A_192 = arith.index_cast %parallel_loop3A_191 : i32 to index
      %parallel_loop3A_193 = arith.constant 48 : index
      %parallel_loop3A_194 = tpu.vector_load %arg4[%parallel_loop3A_192, %parallel_loop3A_193] {strides = array<i32>} : memref<520x64xf32, #tpu.memory_space<vmem>>, vector<16xf32>,
      %parallel_loop3A_195 = arith.constant 8 : i32
      %parallel_loop3A_196 = arith.addi %parallel_loop3A_195, %parallel_loop3A_54 : i32
      %parallel_loop3A_197 = arith.constant 4 : i32
      %parallel_loop3A_198 = arith.addi %parallel_loop3A_196, %parallel_loop3A_197 : i32
      %parallel_loop3A_199 = arith.index_cast %parallel_loop3A_198 : i32 to index
      %parallel_loop3A_200 = arith.constant 0 : index
      %parallel_loop3A_201 = tpu.vector_load %arg4[%parallel_loop3A_199, %parallel_loop3A_200] {strides = array<i32>} : memref<520x64xf32, #tpu.memory_space<vmem>>, vector<16xf32>,
      %parallel_loop3A_202 = arith.constant 8 : i32
      %parallel_loop3A_203 = arith.addi %parallel_loop3A_202, %parallel_loop3A_54 : i32
      %parallel_loop3A_204 = arith.constant 4 : i32
      %parallel_loop3A_205 = arith.addi %parallel_loop3A_203, %parallel_loop3A_204 : i32
      %parallel_loop3A_206 = arith.index_cast %parallel_loop3A_205 : i32 to index
      %parallel_loop3A_207 = arith.constant 16 : index
      %parallel_loop3A_208 = tpu.vector_load %arg4[%parallel_loop3A_206, %parallel_loop3A_207] {strides = array<i32>} : memref<520x64xf32, #tpu.memory_space<vmem>>, vector<16xf32>,
      %parallel_loop3A_209 = arith.constant 8 : i32
      %parallel_loop3A_210 = arith.addi %parallel_loop3A_209, %parallel_loop3A_54 : i32
      %parallel_loop3A_211 = arith.constant 4 : i32
      %parallel_loop3A_212 = arith.addi %parallel_loop3A_210, %parallel_loop3A_211 : i32
      %parallel_loop3A_213 = arith.index_cast %parallel_loop3A_212 : i32 to index
      %parallel_loop3A_214 = arith.constant 32 : index
      %parallel_loop3A_215 = tpu.vector_load %arg4[%parallel_loop3A_213, %parallel_loop3A_214] {strides = array<i32>} : memref<520x64xf32, #tpu.memory_space<vmem>>, vector<16xf32>,
      %parallel_loop3A_216 = arith.constant 8 : i32
      %parallel_loop3A_217 = arith.addi %parallel_loop3A_216, %parallel_loop3A_54 : i32
      %parallel_loop3A_218 = arith.constant 4 : i32
      %parallel_loop3A_219 = arith.addi %parallel_loop3A_217, %parallel_loop3A_218 : i32
      %parallel_loop3A_220 = arith.index_cast %parallel_loop3A_219 : i32 to index
      %parallel_loop3A_221 = arith.constant 48 : index
      %parallel_loop3A_222 = tpu.vector_load %arg4[%parallel_loop3A_220, %parallel_loop3A_221] {strides = array<i32>} : memref<520x64xf32, #tpu.memory_space<vmem>>, vector<16xf32>,
      %parallel_loop3A_223 = arith.constant 8 : i32
      %parallel_loop3A_224 = arith.addi %parallel_loop3A_223, %parallel_loop3A_54 : i32
      %parallel_loop3A_225 = arith.constant 5 : i32
      %parallel_loop3A_226 = arith.addi %parallel_loop3A_224, %parallel_loop3A_225 : i32
      %parallel_loop3A_227 = arith.index_cast %parallel_loop3A_226 : i32 to index
      %parallel_loop3A_228 = arith.constant 0 : index
      %parallel_loop3A_229 = tpu.vector_load %arg4[%parallel_loop3A_227, %parallel_loop3A_228] {strides = array<i32>} : memref<520x64xf32, #tpu.memory_space<vmem>>, vector<16xf32>,
      %parallel_loop3A_230 = arith.constant 8 : i32
      %parallel_loop3A_231 = arith.addi %parallel_loop3A_230, %parallel_loop3A_54 : i32
      %parallel_loop3A_232 = arith.constant 5 : i32
      %parallel_loop3A_233 = arith.addi %parallel_loop3A_231, %parallel_loop3A_232 : i32
      %parallel_loop3A_234 = arith.index_cast %parallel_loop3A_233 : i32 to index
      %parallel_loop3A_235 = arith.constant 16 : index
      %parallel_loop3A_236 = tpu.vector_load %arg4[%parallel_loop3A_234, %parallel_loop3A_235] {strides = array<i32>} : memref<520x64xf32, #tpu.memory_space<vmem>>, vector<16xf32>,
      %parallel_loop3A_237 = arith.constant 8 : i32
      %parallel_loop3A_238 = arith.addi %parallel_loop3A_237, %parallel_loop3A_54 : i32
      %parallel_loop3A_239 = arith.constant 5 : i32
      %parallel_loop3A_240 = arith.addi %parallel_loop3A_238, %parallel_loop3A_239 : i32
      %parallel_loop3A_241 = arith.index_cast %parallel_loop3A_240 : i32 to index
      %parallel_loop3A_242 = arith.constant 32 : index
      %parallel_loop3A_243 = tpu.vector_load %arg4[%parallel_loop3A_241, %parallel_loop3A_242] {strides = array<i32>} : memref<520x64xf32, #tpu.memory_space<vmem>>, vector<16xf32>,
      %parallel_loop3A_244 = arith.constant 8 : i32
      %parallel_loop3A_245 = arith.addi %parallel_loop3A_244, %parallel_loop3A_54 : i32
      %parallel_loop3A_246 = arith.constant 5 : i32
      %parallel_loop3A_247 = arith.addi %parallel_loop3A_245, %parallel_loop3A_246 : i32
      %parallel_loop3A_248 = arith.index_cast %parallel_loop3A_247 : i32 to index
      %parallel_loop3A_249 = arith.constant 48 : index
      %parallel_loop3A_250 = tpu.vector_load %arg4[%parallel_loop3A_248, %parallel_loop3A_249] {strides = array<i32>} : memref<520x64xf32, #tpu.memory_space<vmem>>, vector<16xf32>,
      %parallel_loop3A_251 = arith.constant 8 : i32
      %parallel_loop3A_252 = arith.addi %parallel_loop3A_251, %parallel_loop3A_54 : i32
      %parallel_loop3A_253 = arith.constant 6 : i32
      %parallel_loop3A_254 = arith.addi %parallel_loop3A_252, %parallel_loop3A_253 : i32
      %parallel_loop3A_255 = arith.index_cast %parallel_loop3A_254 : i32 to index
      %parallel_loop3A_256 = arith.constant 0 : index
      %parallel_loop3A_257 = tpu.vector_load %arg4[%parallel_loop3A_255, %parallel_loop3A_256] {strides = array<i32>} : memref<520x64xf32, #tpu.memory_space<vmem>>, vector<16xf32>,
      %parallel_loop3A_258 = arith.constant 8 : i32
      %parallel_loop3A_259 = arith.addi %parallel_loop3A_258, %parallel_loop3A_54 : i32
      %parallel_loop3A_260 = arith.constant 6 : i32
      %parallel_loop3A_261 = arith.addi %parallel_loop3A_259, %parallel_loop3A_260 : i32
      %parallel_loop3A_262 = arith.index_cast %parallel_loop3A_261 : i32 to index
      %parallel_loop3A_263 = arith.constant 16 : index
      %parallel_loop3A_264 = tpu.vector_load %arg4[%parallel_loop3A_262, %parallel_loop3A_263] {strides = array<i32>} : memref<520x64xf32, #tpu.memory_space<vmem>>, vector<16xf32>,
      %parallel_loop3A_265 = arith.constant 8 : i32
      %parallel_loop3A_266 = arith.addi %parallel_loop3A_265, %parallel_loop3A_54 : i32
      %parallel_loop3A_267 = arith.constant 6 : i32
      %parallel_loop3A_268 = arith.addi %parallel_loop3A_266, %parallel_loop3A_267 : i32
      %parallel_loop3A_269 = arith.index_cast %parallel_loop3A_268 : i32 to index
      %parallel_loop3A_270 = arith.constant 32 : index
      %parallel_loop3A_271 = tpu.vector_load %arg4[%parallel_loop3A_269, %parallel_loop3A_270] {strides = array<i32>} : memref<520x64xf32, #tpu.memory_space<vmem>>, vector<16xf32>,
      %parallel_loop3A_272 = arith.constant 8 : i32
      %parallel_loop3A_273 = arith.addi %parallel_loop3A_272, %parallel_loop3A_54 : i32
      %parallel_loop3A_274 = arith.constant 6 : i32
      %parallel_loop3A_275 = arith.addi %parallel_loop3A_273, %parallel_loop3A_274 : i32
      %parallel_loop3A_276 = arith.index_cast %parallel_loop3A_275 : i32 to index
      %parallel_loop3A_277 = arith.constant 48 : index
      %parallel_loop3A_278 = tpu.vector_load %arg4[%parallel_loop3A_276, %parallel_loop3A_277] {strides = array<i32>} : memref<520x64xf32, #tpu.memory_space<vmem>>, vector<16xf32>,
      %parallel_loop3A_279 = arith.constant 8 : i32
      %parallel_loop3A_280 = arith.addi %parallel_loop3A_279, %parallel_loop3A_54 : i32
      %parallel_loop3A_281 = arith.constant 7 : i32
      %parallel_loop3A_282 = arith.addi %parallel_loop3A_280, %parallel_loop3A_281 : i32
      %parallel_loop3A_283 = arith.index_cast %parallel_loop3A_282 : i32 to index
      %parallel_loop3A_284 = arith.constant 0 : index
      %parallel_loop3A_285 = tpu.vector_load %arg4[%parallel_loop3A_283, %parallel_loop3A_284] {strides = array<i32>} : memref<520x64xf32, #tpu.memory_space<vmem>>, vector<16xf32>,
      %parallel_loop3A_286 = arith.constant 8 : i32
      %parallel_loop3A_287 = arith.addi %parallel_loop3A_286, %parallel_loop3A_54 : i32
      %parallel_loop3A_288 = arith.constant 7 : i32
      %parallel_loop3A_289 = arith.addi %parallel_loop3A_287, %parallel_loop3A_288 : i32
      %parallel_loop3A_290 = arith.index_cast %parallel_loop3A_289 : i32 to index
      %parallel_loop3A_291 = arith.constant 16 : index
      %parallel_loop3A_292 = tpu.vector_load %arg4[%parallel_loop3A_290, %parallel_loop3A_291] {strides = array<i32>} : memref<520x64xf32, #tpu.memory_space<vmem>>, vector<16xf32>,
      %parallel_loop3A_293 = arith.constant 8 : i32
      %parallel_loop3A_294 = arith.addi %parallel_loop3A_293, %parallel_loop3A_54 : i32
      %parallel_loop3A_295 = arith.constant 7 : i32
      %parallel_loop3A_296 = arith.addi %parallel_loop3A_294, %parallel_loop3A_295 : i32
      %parallel_loop3A_297 = arith.index_cast %parallel_loop3A_296 : i32 to index
      %parallel_loop3A_298 = arith.constant 32 : index
      %parallel_loop3A_299 = tpu.vector_load %arg4[%parallel_loop3A_297, %parallel_loop3A_298] {strides = array<i32>} : memref<520x64xf32, #tpu.memory_space<vmem>>, vector<16xf32>,
      %parallel_loop3A_300 = arith.constant 8 : i32
      %parallel_loop3A_301 = arith.addi %parallel_loop3A_300, %parallel_loop3A_54 : i32
      %parallel_loop3A_302 = arith.constant 7 : i32
      %parallel_loop3A_303 = arith.addi %parallel_loop3A_301, %parallel_loop3A_302 : i32
      %parallel_loop3A_304 = arith.index_cast %parallel_loop3A_303 : i32 to index
      %parallel_loop3A_305 = arith.constant 48 : index
      %parallel_loop3A_306 = tpu.vector_load %arg4[%parallel_loop3A_304, %parallel_loop3A_305] {strides = array<i32>} : memref<520x64xf32, #tpu.memory_space<vmem>>, vector<16xf32>,
      %parallel_loop3A_307 = arith.constant 8 : i32
      %parallel_loop3A_308 = arith.addi %parallel_loop3A_307, %parallel_loop3A_54 : i32
      %parallel_loop3A_309 = arith.constant 8 : i32
      %parallel_loop3A_310 = arith.addi %parallel_loop3A_308, %parallel_loop3A_309 : i32
      %parallel_loop3A_311 = arith.index_cast %parallel_loop3A_310 : i32 to index
      %parallel_loop3A_312 = arith.constant 0 : index
      %parallel_loop3A_313 = tpu.vector_load %arg4[%parallel_loop3A_311, %parallel_loop3A_312] {strides = array<i32>} : memref<520x64xf32, #tpu.memory_space<vmem>>, vector<16xf32>,
      %parallel_loop3A_314 = arith.constant 8 : i32
      %parallel_loop3A_315 = arith.addi %parallel_loop3A_314, %parallel_loop3A_54 : i32
      %parallel_loop3A_316 = arith.constant 8 : i32
      %parallel_loop3A_317 = arith.addi %parallel_loop3A_315, %parallel_loop3A_316 : i32
      %parallel_loop3A_318 = arith.index_cast %parallel_loop3A_317 : i32 to index
      %parallel_loop3A_319 = arith.constant 16 : index
      %parallel_loop3A_320 = tpu.vector_load %arg4[%parallel_loop3A_318, %parallel_loop3A_319] {strides = array<i32>} : memref<520x64xf32, #tpu.memory_space<vmem>>, vector<16xf32>,
      %parallel_loop3A_321 = arith.constant 8 : i32
      %parallel_loop3A_322 = arith.addi %parallel_loop3A_321, %parallel_loop3A_54 : i32
      %parallel_loop3A_323 = arith.constant 8 : i32
      %parallel_loop3A_324 = arith.addi %parallel_loop3A_322, %parallel_loop3A_323 : i32
      %parallel_loop3A_325 = arith.index_cast %parallel_loop3A_324 : i32 to index
      %parallel_loop3A_326 = arith.constant 32 : index
      %parallel_loop3A_327 = tpu.vector_load %arg4[%parallel_loop3A_325, %parallel_loop3A_326] {strides = array<i32>} : memref<520x64xf32, #tpu.memory_space<vmem>>, vector<16xf32>,
      %parallel_loop3A_328 = arith.constant 8 : i32
      %parallel_loop3A_329 = arith.addi %parallel_loop3A_328, %parallel_loop3A_54 : i32
      %parallel_loop3A_330 = arith.constant 8 : i32
      %parallel_loop3A_331 = arith.addi %parallel_loop3A_329, %parallel_loop3A_330 : i32
      %parallel_loop3A_332 = arith.index_cast %parallel_loop3A_331 : i32 to index
      %parallel_loop3A_333 = arith.constant 48 : index
      %parallel_loop3A_334 = tpu.vector_load %arg4[%parallel_loop3A_332, %parallel_loop3A_333] {strides = array<i32>} : memref<520x64xf32, #tpu.memory_space<vmem>>, vector<16xf32>,
      %parallel_loop3A_335 = arith.constant 8 : i32
      %parallel_loop3A_336 = arith.addi %parallel_loop3A_335, %parallel_loop3A_54 : i32
      %parallel_loop3A_337 = arith.constant 9 : i32
      %parallel_loop3A_338 = arith.addi %parallel_loop3A_336, %parallel_loop3A_337 : i32
      %parallel_loop3A_339 = arith.index_cast %parallel_loop3A_338 : i32 to index
      %parallel_loop3A_340 = arith.constant 0 : index
      %parallel_loop3A_341 = tpu.vector_load %arg4[%parallel_loop3A_339, %parallel_loop3A_340] {strides = array<i32>} : memref<520x64xf32, #tpu.memory_space<vmem>>, vector<16xf32>,
      %parallel_loop3A_342 = arith.constant 8 : i32
      %parallel_loop3A_343 = arith.addi %parallel_loop3A_342, %parallel_loop3A_54 : i32
      %parallel_loop3A_344 = arith.constant 9 : i32
      %parallel_loop3A_345 = arith.addi %parallel_loop3A_343, %parallel_loop3A_344 : i32
      %parallel_loop3A_346 = arith.index_cast %parallel_loop3A_345 : i32 to index
      %parallel_loop3A_347 = arith.constant 16 : index
      %parallel_loop3A_348 = tpu.vector_load %arg4[%parallel_loop3A_346, %parallel_loop3A_347] {strides = array<i32>} : memref<520x64xf32, #tpu.memory_space<vmem>>, vector<16xf32>,
      %parallel_loop3A_349 = arith.constant 8 : i32
      %parallel_loop3A_350 = arith.addi %parallel_loop3A_349, %parallel_loop3A_54 : i32
      %parallel_loop3A_351 = arith.constant 9 : i32
      %parallel_loop3A_352 = arith.addi %parallel_loop3A_350, %parallel_loop3A_351 : i32
      %parallel_loop3A_353 = arith.index_cast %parallel_loop3A_352 : i32 to index
      %parallel_loop3A_354 = arith.constant 32 : index
      %parallel_loop3A_355 = tpu.vector_load %arg4[%parallel_loop3A_353, %parallel_loop3A_354] {strides = array<i32>} : memref<520x64xf32, #tpu.memory_space<vmem>>, vector<16xf32>,
      %parallel_loop3A_356 = arith.constant 8 : i32
      %parallel_loop3A_357 = arith.addi %parallel_loop3A_356, %parallel_loop3A_54 : i32
      %parallel_loop3A_358 = arith.constant 9 : i32
      %parallel_loop3A_359 = arith.addi %parallel_loop3A_357, %parallel_loop3A_358 : i32
      %parallel_loop3A_360 = arith.index_cast %parallel_loop3A_359 : i32 to index
      %parallel_loop3A_361 = arith.constant 48 : index
      %parallel_loop3A_362 = tpu.vector_load %arg4[%parallel_loop3A_360, %parallel_loop3A_361] {strides = array<i32>} : memref<520x64xf32, #tpu.memory_space<vmem>>, vector<16xf32>,
      %parallel_loop3A_363 = arith.constant 8 : i32
      %parallel_loop3A_364 = arith.addi %parallel_loop3A_363, %parallel_loop3A_54 : i32
      %parallel_loop3A_365 = arith.constant 10 : i32
      %parallel_loop3A_366 = arith.addi %parallel_loop3A_364, %parallel_loop3A_365 : i32
      %parallel_loop3A_367 = arith.index_cast %parallel_loop3A_366 : i32 to index
      %parallel_loop3A_368 = arith.constant 0 : index
      %parallel_loop3A_369 = tpu.vector_load %arg4[%parallel_loop3A_367, %parallel_loop3A_368] {strides = array<i32>} : memref<520x64xf32, #tpu.memory_space<vmem>>, vector<16xf32>,
      %parallel_loop3A_370 = arith.constant 8 : i32
      %parallel_loop3A_371 = arith.addi %parallel_loop3A_370, %parallel_loop3A_54 : i32
      %parallel_loop3A_372 = arith.constant 10 : i32
      %parallel_loop3A_373 = arith.addi %parallel_loop3A_371, %parallel_loop3A_372 : i32
      %parallel_loop3A_374 = arith.index_cast %parallel_loop3A_373 : i32 to index
      %parallel_loop3A_375 = arith.constant 16 : index
      %parallel_loop3A_376 = tpu.vector_load %arg4[%parallel_loop3A_374, %parallel_loop3A_375] {strides = array<i32>} : memref<520x64xf32, #tpu.memory_space<vmem>>, vector<16xf32>,
      %parallel_loop3A_377 = arith.constant 8 : i32
      %parallel_loop3A_378 = arith.addi %parallel_loop3A_377, %parallel_loop3A_54 : i32
      %parallel_loop3A_379 = arith.constant 10 : i32
      %parallel_loop3A_380 = arith.addi %parallel_loop3A_378, %parallel_loop3A_379 : i32
      %parallel_loop3A_381 = arith.index_cast %parallel_loop3A_380 : i32 to index
      %parallel_loop3A_382 = arith.constant 32 : index
      %parallel_loop3A_383 = tpu.vector_load %arg4[%parallel_loop3A_381, %parallel_loop3A_382] {strides = array<i32>} : memref<520x64xf32, #tpu.memory_space<vmem>>, vector<16xf32>,
      %parallel_loop3A_384 = arith.constant 8 : i32
      %parallel_loop3A_385 = arith.addi %parallel_loop3A_384, %parallel_loop3A_54 : i32
      %parallel_loop3A_386 = arith.constant 10 : i32
      %parallel_loop3A_387 = arith.addi %parallel_loop3A_385, %parallel_loop3A_386 : i32
      %parallel_loop3A_388 = arith.index_cast %parallel_loop3A_387 : i32 to index
      %parallel_loop3A_389 = arith.constant 48 : index
      %parallel_loop3A_390 = tpu.vector_load %arg4[%parallel_loop3A_388, %parallel_loop3A_389] {strides = array<i32>} : memref<520x64xf32, #tpu.memory_space<vmem>>, vector<16xf32>,
      %parallel_loop3A_391 = arith.constant 8 : i32
      %parallel_loop3A_392 = arith.addi %parallel_loop3A_391, %parallel_loop3A_54 : i32
      %parallel_loop3A_393 = arith.constant 11 : i32
      %parallel_loop3A_394 = arith.addi %parallel_loop3A_392, %parallel_loop3A_393 : i32
      %parallel_loop3A_395 = arith.index_cast %parallel_loop3A_394 : i32 to index
      %parallel_loop3A_396 = arith.constant 0 : index
      %parallel_loop3A_397 = tpu.vector_load %arg4[%parallel_loop3A_395, %parallel_loop3A_396] {strides = array<i32>} : memref<520x64xf32, #tpu.memory_space<vmem>>, vector<16xf32>,
      %parallel_loop3A_398 = arith.constant 8 : i32
      %parallel_loop3A_399 = arith.addi %parallel_loop3A_398, %parallel_loop3A_54 : i32
      %parallel_loop3A_400 = arith.constant 11 : i32
      %parallel_loop3A_401 = arith.addi %parallel_loop3A_399, %parallel_loop3A_400 : i32
      %parallel_loop3A_402 = arith.index_cast %parallel_loop3A_401 : i32 to index
      %parallel_loop3A_403 = arith.constant 16 : index
      %parallel_loop3A_404 = tpu.vector_load %arg4[%parallel_loop3A_402, %parallel_loop3A_403] {strides = array<i32>} : memref<520x64xf32, #tpu.memory_space<vmem>>, vector<16xf32>,
      %parallel_loop3A_405 = arith.constant 8 : i32
      %parallel_loop3A_406 = arith.addi %parallel_loop3A_405, %parallel_loop3A_54 : i32
      %parallel_loop3A_407 = arith.constant 11 : i32
      %parallel_loop3A_408 = arith.addi %parallel_loop3A_406, %parallel_loop3A_407 : i32
      %parallel_loop3A_409 = arith.index_cast %parallel_loop3A_408 : i32 to index
      %parallel_loop3A_410 = arith.constant 32 : index
      %parallel_loop3A_411 = tpu.vector_load %arg4[%parallel_loop3A_409, %parallel_loop3A_410] {strides = array<i32>} : memref<520x64xf32, #tpu.memory_space<vmem>>, vector<16xf32>,
      %parallel_loop3A_412 = arith.constant 8 : i32
      %parallel_loop3A_413 = arith.addi %parallel_loop3A_412, %parallel_loop3A_54 : i32
      %parallel_loop3A_414 = arith.constant 11 : i32
      %parallel_loop3A_415 = arith.addi %parallel_loop3A_413, %parallel_loop3A_414 : i32
      %parallel_loop3A_416 = arith.index_cast %parallel_loop3A_415 : i32 to index
      %parallel_loop3A_417 = arith.constant 48 : index
      %parallel_loop3A_418 = tpu.vector_load %arg4[%parallel_loop3A_416, %parallel_loop3A_417] {strides = array<i32>} : memref<520x64xf32, #tpu.memory_space<vmem>>, vector<16xf32>,
      %parallel_loop3A_419 = arith.constant 8 : i32
      %parallel_loop3A_420 = arith.addi %parallel_loop3A_419, %parallel_loop3A_54 : i32
      %parallel_loop3A_421 = arith.constant 12 : i32
      %parallel_loop3A_422 = arith.addi %parallel_loop3A_420, %parallel_loop3A_421 : i32
      %parallel_loop3A_423 = arith.index_cast %parallel_loop3A_422 : i32 to index
      %parallel_loop3A_424 = arith.constant 0 : index
      %parallel_loop3A_425 = tpu.vector_load %arg4[%parallel_loop3A_423, %parallel_loop3A_424] {strides = array<i32>} : memref<520x64xf32, #tpu.memory_space<vmem>>, vector<16xf32>,
      %parallel_loop3A_426 = arith.constant 8 : i32
      %parallel_loop3A_427 = arith.addi %parallel_loop3A_426, %parallel_loop3A_54 : i32
      %parallel_loop3A_428 = arith.constant 12 : i32
      %parallel_loop3A_429 = arith.addi %parallel_loop3A_427, %parallel_loop3A_428 : i32
      %parallel_loop3A_430 = arith.index_cast %parallel_loop3A_429 : i32 to index
      %parallel_loop3A_431 = arith.constant 16 : index
      %parallel_loop3A_432 = tpu.vector_load %arg4[%parallel_loop3A_430, %parallel_loop3A_431] {strides = array<i32>} : memref<520x64xf32, #tpu.memory_space<vmem>>, vector<16xf32>,
      %parallel_loop3A_433 = arith.constant 8 : i32
      %parallel_loop3A_434 = arith.addi %parallel_loop3A_433, %parallel_loop3A_54 : i32
      %parallel_loop3A_435 = arith.constant 12 : i32
      %parallel_loop3A_436 = arith.addi %parallel_loop3A_434, %parallel_loop3A_435 : i32
      %parallel_loop3A_437 = arith.index_cast %parallel_loop3A_436 : i32 to index
      %parallel_loop3A_438 = arith.constant 32 : index
      %parallel_loop3A_439 = tpu.vector_load %arg4[%parallel_loop3A_437, %parallel_loop3A_438] {strides = array<i32>} : memref<520x64xf32, #tpu.memory_space<vmem>>, vector<16xf32>,
      %parallel_loop3A_440 = arith.constant 8 : i32
      %parallel_loop3A_441 = arith.addi %parallel_loop3A_440, %parallel_loop3A_54 : i32
      %parallel_loop3A_442 = arith.constant 12 : i32
      %parallel_loop3A_443 = arith.addi %parallel_loop3A_441, %parallel_loop3A_442 : i32
      %parallel_loop3A_444 = arith.index_cast %parallel_loop3A_443 : i32 to index
      %parallel_loop3A_445 = arith.constant 48 : index
      %parallel_loop3A_446 = tpu.vector_load %arg4[%parallel_loop3A_444, %parallel_loop3A_445] {strides = array<i32>} : memref<520x64xf32, #tpu.memory_space<vmem>>, vector<16xf32>,
      %parallel_loop3A_447 = arith.constant 8 : i32
      %parallel_loop3A_448 = arith.addi %parallel_loop3A_447, %parallel_loop3A_54 : i32
      %parallel_loop3A_449 = arith.constant 13 : i32
      %parallel_loop3A_450 = arith.addi %parallel_loop3A_448, %parallel_loop3A_449 : i32
      %parallel_loop3A_451 = arith.index_cast %parallel_loop3A_450 : i32 to index
      %parallel_loop3A_452 = arith.constant 0 : index
      %parallel_loop3A_453 = tpu.vector_load %arg4[%parallel_loop3A_451, %parallel_loop3A_452] {strides = array<i32>} : memref<520x64xf32, #tpu.memory_space<vmem>>, vector<16xf32>,
      %parallel_loop3A_454 = arith.constant 8 : i32
      %parallel_loop3A_455 = arith.addi %parallel_loop3A_454, %parallel_loop3A_54 : i32
      %parallel_loop3A_456 = arith.constant 13 : i32
      %parallel_loop3A_457 = arith.addi %parallel_loop3A_455, %parallel_loop3A_456 : i32
      %parallel_loop3A_458 = arith.index_cast %parallel_loop3A_457 : i32 to index
      %parallel_loop3A_459 = arith.constant 16 : index
      %parallel_loop3A_460 = tpu.vector_load %arg4[%parallel_loop3A_458, %parallel_loop3A_459] {strides = array<i32>} : memref<520x64xf32, #tpu.memory_space<vmem>>, vector<16xf32>,
      %parallel_loop3A_461 = arith.constant 8 : i32
      %parallel_loop3A_462 = arith.addi %parallel_loop3A_461, %parallel_loop3A_54 : i32
      %parallel_loop3A_463 = arith.constant 13 : i32
      %parallel_loop3A_464 = arith.addi %parallel_loop3A_462, %parallel_loop3A_463 : i32
      %parallel_loop3A_465 = arith.index_cast %parallel_loop3A_464 : i32 to index
      %parallel_loop3A_466 = arith.constant 32 : index
      %parallel_loop3A_467 = tpu.vector_load %arg4[%parallel_loop3A_465, %parallel_loop3A_466] {strides = array<i32>} : memref<520x64xf32, #tpu.memory_space<vmem>>, vector<16xf32>,
      %parallel_loop3A_468 = arith.constant 8 : i32
      %parallel_loop3A_469 = arith.addi %parallel_loop3A_468, %parallel_loop3A_54 : i32
      %parallel_loop3A_470 = arith.constant 13 : i32
      %parallel_loop3A_471 = arith.addi %parallel_loop3A_469, %parallel_loop3A_470 : i32
      %parallel_loop3A_472 = arith.index_cast %parallel_loop3A_471 : i32 to index
      %parallel_loop3A_473 = arith.constant 48 : index
      %parallel_loop3A_474 = tpu.vector_load %arg4[%parallel_loop3A_472, %parallel_loop3A_473] {strides = array<i32>} : memref<520x64xf32, #tpu.memory_space<vmem>>, vector<16xf32>,
      %parallel_loop3A_475 = arith.constant 8 : i32
      %parallel_loop3A_476 = arith.addi %parallel_loop3A_475, %parallel_loop3A_54 : i32
      %parallel_loop3A_477 = arith.constant 14 : i32
      %parallel_loop3A_478 = arith.addi %parallel_loop3A_476, %parallel_loop3A_477 : i32
      %parallel_loop3A_479 = arith.index_cast %parallel_loop3A_478 : i32 to index
      %parallel_loop3A_480 = arith.constant 0 : index
      %parallel_loop3A_481 = tpu.vector_load %arg4[%parallel_loop3A_479, %parallel_loop3A_480] {strides = array<i32>} : memref<520x64xf32, #tpu.memory_space<vmem>>, vector<16xf32>,
      %parallel_loop3A_482 = arith.constant 8 : i32
      %parallel_loop3A_483 = arith.addi %parallel_loop3A_482, %parallel_loop3A_54 : i32
      %parallel_loop3A_484 = arith.constant 14 : i32
      %parallel_loop3A_485 = arith.addi %parallel_loop3A_483, %parallel_loop3A_484 : i32
      %parallel_loop3A_486 = arith.index_cast %parallel_loop3A_485 : i32 to index
      %parallel_loop3A_487 = arith.constant 16 : index
      %parallel_loop3A_488 = tpu.vector_load %arg4[%parallel_loop3A_486, %parallel_loop3A_487] {strides = array<i32>} : memref<520x64xf32, #tpu.memory_space<vmem>>, vector<16xf32>,
      %parallel_loop3A_489 = arith.constant 8 : i32
      %parallel_loop3A_490 = arith.addi %parallel_loop3A_489, %parallel_loop3A_54 : i32
      %parallel_loop3A_491 = arith.constant 14 : i32
      %parallel_loop3A_492 = arith.addi %parallel_loop3A_490, %parallel_loop3A_491 : i32
      %parallel_loop3A_493 = arith.index_cast %parallel_loop3A_492 : i32 to index
      %parallel_loop3A_494 = arith.constant 32 : index
      %parallel_loop3A_495 = tpu.vector_load %arg4[%parallel_loop3A_493, %parallel_loop3A_494] {strides = array<i32>} : memref<520x64xf32, #tpu.memory_space<vmem>>, vector<16xf32>,
      %parallel_loop3A_496 = arith.constant 8 : i32
      %parallel_loop3A_497 = arith.addi %parallel_loop3A_496, %parallel_loop3A_54 : i32
      %parallel_loop3A_498 = arith.constant 14 : i32
      %parallel_loop3A_499 = arith.addi %parallel_loop3A_497, %parallel_loop3A_498 : i32
      %parallel_loop3A_500 = arith.index_cast %parallel_loop3A_499 : i32 to index
      %parallel_loop3A_501 = arith.constant 48 : index
      %parallel_loop3A_502 = tpu.vector_load %arg4[%parallel_loop3A_500, %parallel_loop3A_501] {strides = array<i32>} : memref<520x64xf32, #tpu.memory_space<vmem>>, vector<16xf32>,
      %parallel_loop3A_503 = arith.constant 8 : i32
      %parallel_loop3A_504 = arith.addi %parallel_loop3A_503, %parallel_loop3A_54 : i32
      %parallel_loop3A_505 = arith.constant 15 : i32
      %parallel_loop3A_506 = arith.addi %parallel_loop3A_504, %parallel_loop3A_505 : i32
      %parallel_loop3A_507 = arith.index_cast %parallel_loop3A_506 : i32 to index
      %parallel_loop3A_508 = arith.constant 0 : index
      %parallel_loop3A_509 = tpu.vector_load %arg4[%parallel_loop3A_507, %parallel_loop3A_508] {strides = array<i32>} : memref<520x64xf32, #tpu.memory_space<vmem>>, vector<16xf32>,
      %parallel_loop3A_510 = arith.constant 8 : i32
      %parallel_loop3A_511 = arith.addi %parallel_loop3A_510, %parallel_loop3A_54 : i32
      %parallel_loop3A_512 = arith.constant 15 : i32
      %parallel_loop3A_513 = arith.addi %parallel_loop3A_511, %parallel_loop3A_512 : i32
      %parallel_loop3A_514 = arith.index_cast %parallel_loop3A_513 : i32 to index
      %parallel_loop3A_515 = arith.constant 16 : index
      %parallel_loop3A_516 = tpu.vector_load %arg4[%parallel_loop3A_514, %parallel_loop3A_515] {strides = array<i32>} : memref<520x64xf32, #tpu.memory_space<vmem>>, vector<16xf32>,
      %parallel_loop3A_517 = arith.constant 8 : i32
      %parallel_loop3A_518 = arith.addi %parallel_loop3A_517, %parallel_loop3A_54 : i32
      %parallel_loop3A_519 = arith.constant 15 : i32
      %parallel_loop3A_520 = arith.addi %parallel_loop3A_518, %parallel_loop3A_519 : i32
      %parallel_loop3A_521 = arith.index_cast %parallel_loop3A_520 : i32 to index
      %parallel_loop3A_522 = arith.constant 32 : index
      %parallel_loop3A_523 = tpu.vector_load %arg4[%parallel_loop3A_521, %parallel_loop3A_522] {strides = array<i32>} : memref<520x64xf32, #tpu.memory_space<vmem>>, vector<16xf32>,
      %parallel_loop3A_524 = arith.constant 8 : i32
      %parallel_loop3A_525 = arith.addi %parallel_loop3A_524, %parallel_loop3A_54 : i32
      %parallel_loop3A_526 = arith.constant 15 : i32
      %parallel_loop3A_527 = arith.addi %parallel_loop3A_525, %parallel_loop3A_526 : i32
      %parallel_loop3A_528 = arith.index_cast %parallel_loop3A_527 : i32 to index
      %parallel_loop3A_529 = arith.constant 48 : index
      %parallel_loop3A_530 = tpu.vector_load %arg4[%parallel_loop3A_528, %parallel_loop3A_529] {strides = array<i32>} : memref<520x64xf32, #tpu.memory_space<vmem>>, vector<16xf32>,
      %parallel_loop3A_531 = arith.mulf %parallel_loop3A_61, %parallel_loop3A_61 : vector<16xf32>
      %parallel_loop3A_532 = arith.mulf %parallel_loop3A_68, %parallel_loop3A_68 : vector<16xf32>
      %parallel_loop3A_533 = arith.mulf %parallel_loop3A_75, %parallel_loop3A_75 : vector<16xf32>
      %parallel_loop3A_534 = arith.mulf %parallel_loop3A_82, %parallel_loop3A_82 : vector<16xf32>
      %parallel_loop3A_535 = arith.addf %parallel_loop3A_531, %parallel_loop3A_532 : vector<16xf32>
      %parallel_loop3A_536 = arith.addf %parallel_loop3A_535, %parallel_loop3A_533 : vector<16xf32>
      %parallel_loop3A_537 = arith.addf %parallel_loop3A_536, %parallel_loop3A_534 : vector<16xf32>
      %parallel_loop3A_538 = arith.constant true
      %parallel_loop3A_539 = vector.broadcast %parallel_loop3A_538 : i1 to vector<16xi1>
      %parallel_loop3A_540 = tpu.scan <sum>, %parallel_loop3A_537 masked %parallel_loop3A_539 : vector<16xf32>, vector<16xi1> -> vector<16xf32>
      %parallel_loop3A_541 = vector.extract %parallel_loop3A_540[15] : f32 from vector<16xf32>
      %parallel_loop3A_542 = arith.mulf %parallel_loop3A_89, %parallel_loop3A_89 : vector<16xf32>
      %parallel_loop3A_543 = arith.mulf %parallel_loop3A_96, %parallel_loop3A_96 : vector<16xf32>
      %parallel_loop3A_544 = arith.mulf %parallel_loop3A_103, %parallel_loop3A_103 : vector<16xf32>
      %parallel_loop3A_545 = arith.mulf %parallel_loop3A_110, %parallel_loop3A_110 : vector<16xf32>
      %parallel_loop3A_546 = arith.addf %parallel_loop3A_542, %parallel_loop3A_543 : vector<16xf32>
      %parallel_loop3A_547 = arith.addf %parallel_loop3A_546, %parallel_loop3A_544 : vector<16xf32>
      %parallel_loop3A_548 = arith.addf %parallel_loop3A_547, %parallel_loop3A_545 : vector<16xf32>
      %parallel_loop3A_549 = arith.constant true
      %parallel_loop3A_550 = vector.broadcast %parallel_loop3A_549 : i1 to vector<16xi1>
      %parallel_loop3A_551 = tpu.scan <sum>, %parallel_loop3A_548 masked %parallel_loop3A_550 : vector<16xf32>, vector<16xi1> -> vector<16xf32>
      %parallel_loop3A_552 = vector.extract %parallel_loop3A_551[15] : f32 from vector<16xf32>
      %parallel_loop3A_553 = arith.mulf %parallel_loop3A_117, %parallel_loop3A_117 : vector<16xf32>
      %parallel_loop3A_554 = arith.mulf %parallel_loop3A_124, %parallel_loop3A_124 : vector<16xf32>
      %parallel_loop3A_555 = arith.mulf %parallel_loop3A_131, %parallel_loop3A_131 : vector<16xf32>
      %parallel_loop3A_556 = arith.mulf %parallel_loop3A_138, %parallel_loop3A_138 : vector<16xf32>
      %parallel_loop3A_557 = arith.addf %parallel_loop3A_553, %parallel_loop3A_554 : vector<16xf32>
      %parallel_loop3A_558 = arith.addf %parallel_loop3A_557, %parallel_loop3A_555 : vector<16xf32>
      %parallel_loop3A_559 = arith.addf %parallel_loop3A_558, %parallel_loop3A_556 : vector<16xf32>
      %parallel_loop3A_560 = arith.constant true
      %parallel_loop3A_561 = vector.broadcast %parallel_loop3A_560 : i1 to vector<16xi1>
      %parallel_loop3A_562 = tpu.scan <sum>, %parallel_loop3A_559 masked %parallel_loop3A_561 : vector<16xf32>, vector<16xi1> -> vector<16xf32>
      %parallel_loop3A_563 = vector.extract %parallel_loop3A_562[15] : f32 from vector<16xf32>
      %parallel_loop3A_564 = arith.mulf %parallel_loop3A_145, %parallel_loop3A_145 : vector<16xf32>
      %parallel_loop3A_565 = arith.mulf %parallel_loop3A_152, %parallel_loop3A_152 : vector<16xf32>
      %parallel_loop3A_566 = arith.mulf %parallel_loop3A_159, %parallel_loop3A_159 : vector<16xf32>
      %parallel_loop3A_567 = arith.mulf %parallel_loop3A_166, %parallel_loop3A_166 : vector<16xf32>
      %parallel_loop3A_568 = arith.addf %parallel_loop3A_564, %parallel_loop3A_565 : vector<16xf32>
      %parallel_loop3A_569 = arith.addf %parallel_loop3A_568, %parallel_loop3A_566 : vector<16xf32>
      %parallel_loop3A_570 = arith.addf %parallel_loop3A_569, %parallel_loop3A_567 : vector<16xf32>
      %parallel_loop3A_571 = arith.constant true
      %parallel_loop3A_572 = vector.broadcast %parallel_loop3A_571 : i1 to vector<16xi1>
      %parallel_loop3A_573 = tpu.scan <sum>, %parallel_loop3A_570 masked %parallel_loop3A_572 : vector<16xf32>, vector<16xi1> -> vector<16xf32>
      %parallel_loop3A_574 = vector.extract %parallel_loop3A_573[15] : f32 from vector<16xf32>
      %parallel_loop3A_575 = arith.mulf %parallel_loop3A_173, %parallel_loop3A_173 : vector<16xf32>
      %parallel_loop3A_576 = arith.mulf %parallel_loop3A_180, %parallel_loop3A_180 : vector<16xf32>
      %parallel_loop3A_577 = arith.mulf %parallel_loop3A_187, %parallel_loop3A_187 : vector<16xf32>
      %parallel_loop3A_578 = arith.mulf %parallel_loop3A_194, %parallel_loop3A_194 : vector<16xf32>
      %parallel_loop3A_579 = arith.addf %parallel_loop3A_575, %parallel_loop3A_576 : vector<16xf32>
      %parallel_loop3A_580 = arith.addf %parallel_loop3A_579, %parallel_loop3A_577 : vector<16xf32>
      %parallel_loop3A_581 = arith.addf %parallel_loop3A_580, %parallel_loop3A_578 : vector<16xf32>
      %parallel_loop3A_582 = arith.constant true
      %parallel_loop3A_583 = vector.broadcast %parallel_loop3A_582 : i1 to vector<16xi1>
      %parallel_loop3A_584 = tpu.scan <sum>, %parallel_loop3A_581 masked %parallel_loop3A_583 : vector<16xf32>, vector<16xi1> -> vector<16xf32>
      %parallel_loop3A_585 = vector.extract %parallel_loop3A_584[15] : f32 from vector<16xf32>
      %parallel_loop3A_586 = arith.mulf %parallel_loop3A_201, %parallel_loop3A_201 : vector<16xf32>
      %parallel_loop3A_587 = arith.mulf %parallel_loop3A_208, %parallel_loop3A_208 : vector<16xf32>
      %parallel_loop3A_588 = arith.mulf %parallel_loop3A_215, %parallel_loop3A_215 : vector<16xf32>
      %parallel_loop3A_589 = arith.mulf %parallel_loop3A_222, %parallel_loop3A_222 : vector<16xf32>
      %parallel_loop3A_590 = arith.addf %parallel_loop3A_586, %parallel_loop3A_587 : vector<16xf32>
      %parallel_loop3A_591 = arith.addf %parallel_loop3A_590, %parallel_loop3A_588 : vector<16xf32>
      %parallel_loop3A_592 = arith.addf %parallel_loop3A_591, %parallel_loop3A_589 : vector<16xf32>
      %parallel_loop3A_593 = arith.constant true
      %parallel_loop3A_594 = vector.broadcast %parallel_loop3A_593 : i1 to vector<16xi1>
      %parallel_loop3A_595 = tpu.scan <sum>, %parallel_loop3A_592 masked %parallel_loop3A_594 : vector<16xf32>, vector<16xi1> -> vector<16xf32>
      %parallel_loop3A_596 = vector.extract %parallel_loop3A_595[15] : f32 from vector<16xf32>
      %parallel_loop3A_597 = arith.mulf %parallel_loop3A_229, %parallel_loop3A_229 : vector<16xf32>
      %parallel_loop3A_598 = arith.mulf %parallel_loop3A_236, %parallel_loop3A_236 : vector<16xf32>
      %parallel_loop3A_599 = arith.mulf %parallel_loop3A_243, %parallel_loop3A_243 : vector<16xf32>
      %parallel_loop3A_600 = arith.mulf %parallel_loop3A_250, %parallel_loop3A_250 : vector<16xf32>
      %parallel_loop3A_601 = arith.addf %parallel_loop3A_597, %parallel_loop3A_598 : vector<16xf32>
      %parallel_loop3A_602 = arith.addf %parallel_loop3A_601, %parallel_loop3A_599 : vector<16xf32>
      %parallel_loop3A_603 = arith.addf %parallel_loop3A_602, %parallel_loop3A_600 : vector<16xf32>
      %parallel_loop3A_604 = arith.constant true
      %parallel_loop3A_605 = vector.broadcast %parallel_loop3A_604 : i1 to vector<16xi1>
      %parallel_loop3A_606 = tpu.scan <sum>, %parallel_loop3A_603 masked %parallel_loop3A_605 : vector<16xf32>, vector<16xi1> -> vector<16xf32>
      %parallel_loop3A_607 = vector.extract %parallel_loop3A_606[15] : f32 from vector<16xf32>
      %parallel_loop3A_608 = arith.mulf %parallel_loop3A_257, %parallel_loop3A_257 : vector<16xf32>
      %parallel_loop3A_609 = arith.mulf %parallel_loop3A_264, %parallel_loop3A_264 : vector<16xf32>
      %parallel_loop3A_610 = arith.mulf %parallel_loop3A_271, %parallel_loop3A_271 : vector<16xf32>
      %parallel_loop3A_611 = arith.mulf %parallel_loop3A_278, %parallel_loop3A_278 : vector<16xf32>
      %parallel_loop3A_612 = arith.addf %parallel_loop3A_608, %parallel_loop3A_609 : vector<16xf32>
      %parallel_loop3A_613 = arith.addf %parallel_loop3A_612, %parallel_loop3A_610 : vector<16xf32>
      %parallel_loop3A_614 = arith.addf %parallel_loop3A_613, %parallel_loop3A_611 : vector<16xf32>
      %parallel_loop3A_615 = arith.constant true
      %parallel_loop3A_616 = vector.broadcast %parallel_loop3A_615 : i1 to vector<16xi1>
      %parallel_loop3A_617 = tpu.scan <sum>, %parallel_loop3A_614 masked %parallel_loop3A_616 : vector<16xf32>, vector<16xi1> -> vector<16xf32>
      %parallel_loop3A_618 = vector.extract %parallel_loop3A_617[15] : f32 from vector<16xf32>
      %parallel_loop3A_619 = arith.mulf %parallel_loop3A_285, %parallel_loop3A_285 : vector<16xf32>
      %parallel_loop3A_620 = arith.mulf %parallel_loop3A_292, %parallel_loop3A_292 : vector<16xf32>
      %parallel_loop3A_621 = arith.mulf %parallel_loop3A_299, %parallel_loop3A_299 : vector<16xf32>
      %parallel_loop3A_622 = arith.mulf %parallel_loop3A_306, %parallel_loop3A_306 : vector<16xf32>
      %parallel_loop3A_623 = arith.addf %parallel_loop3A_619, %parallel_loop3A_620 : vector<16xf32>
      %parallel_loop3A_624 = arith.addf %parallel_loop3A_623, %parallel_loop3A_621 : vector<16xf32>
      %parallel_loop3A_625 = arith.addf %parallel_loop3A_624, %parallel_loop3A_622 : vector<16xf32>
      %parallel_loop3A_626 = arith.constant true
      %parallel_loop3A_627 = vector.broadcast %parallel_loop3A_626 : i1 to vector<16xi1>
      %parallel_loop3A_628 = tpu.scan <sum>, %parallel_loop3A_625 masked %parallel_loop3A_627 : vector<16xf32>, vector<16xi1> -> vector<16xf32>
      %parallel_loop3A_629 = vector.extract %parallel_loop3A_628[15] : f32 from vector<16xf32>
      %parallel_loop3A_630 = arith.mulf %parallel_loop3A_313, %parallel_loop3A_313 : vector<16xf32>
      %parallel_loop3A_631 = arith.mulf %parallel_loop3A_320, %parallel_loop3A_320 : vector<16xf32>
      %parallel_loop3A_632 = arith.mulf %parallel_loop3A_327, %parallel_loop3A_327 : vector<16xf32>
      %parallel_loop3A_633 = arith.mulf %parallel_loop3A_334, %parallel_loop3A_334 : vector<16xf32>
      %parallel_loop3A_634 = arith.addf %parallel_loop3A_630, %parallel_loop3A_631 : vector<16xf32>
      %parallel_loop3A_635 = arith.addf %parallel_loop3A_634, %parallel_loop3A_632 : vector<16xf32>
      %parallel_loop3A_636 = arith.addf %parallel_loop3A_635, %parallel_loop3A_633 : vector<16xf32>
      %parallel_loop3A_637 = arith.constant true
      %parallel_loop3A_638 = vector.broadcast %parallel_loop3A_637 : i1 to vector<16xi1>
      %parallel_loop3A_639 = tpu.scan <sum>, %parallel_loop3A_636 masked %parallel_loop3A_638 : vector<16xf32>, vector<16xi1> -> vector<16xf32>
      %parallel_loop3A_640 = vector.extract %parallel_loop3A_639[15] : f32 from vector<16xf32>
      %parallel_loop3A_641 = arith.mulf %parallel_loop3A_341, %parallel_loop3A_341 : vector<16xf32>
      %parallel_loop3A_642 = arith.mulf %parallel_loop3A_348, %parallel_loop3A_348 : vector<16xf32>
      %parallel_loop3A_643 = arith.mulf %parallel_loop3A_355, %parallel_loop3A_355 : vector<16xf32>
      %parallel_loop3A_644 = arith.mulf %parallel_loop3A_362, %parallel_loop3A_362 : vector<16xf32>
      %parallel_loop3A_645 = arith.addf %parallel_loop3A_641, %parallel_loop3A_642 : vector<16xf32>
      %parallel_loop3A_646 = arith.addf %parallel_loop3A_645, %parallel_loop3A_643 : vector<16xf32>
      %parallel_loop3A_647 = arith.addf %parallel_loop3A_646, %parallel_loop3A_644 : vector<16xf32>
      %parallel_loop3A_648 = arith.constant true
      %parallel_loop3A_649 = vector.broadcast %parallel_loop3A_648 : i1 to vector<16xi1>
      %parallel_loop3A_650 = tpu.scan <sum>, %parallel_loop3A_647 masked %parallel_loop3A_649 : vector<16xf32>, vector<16xi1> -> vector<16xf32>
      %parallel_loop3A_651 = vector.extract %parallel_loop3A_650[15] : f32 from vector<16xf32>
      %parallel_loop3A_652 = arith.mulf %parallel_loop3A_369, %parallel_loop3A_369 : vector<16xf32>
      %parallel_loop3A_653 = arith.mulf %parallel_loop3A_376, %parallel_loop3A_376 : vector<16xf32>
      %parallel_loop3A_654 = arith.mulf %parallel_loop3A_383, %parallel_loop3A_383 : vector<16xf32>
      %parallel_loop3A_655 = arith.mulf %parallel_loop3A_390, %parallel_loop3A_390 : vector<16xf32>
      %parallel_loop3A_656 = arith.addf %parallel_loop3A_652, %parallel_loop3A_653 : vector<16xf32>
      %parallel_loop3A_657 = arith.addf %parallel_loop3A_656, %parallel_loop3A_654 : vector<16xf32>
      %parallel_loop3A_658 = arith.addf %parallel_loop3A_657, %parallel_loop3A_655 : vector<16xf32>
      %parallel_loop3A_659 = arith.constant true
      %parallel_loop3A_660 = vector.broadcast %parallel_loop3A_659 : i1 to vector<16xi1>
      %parallel_loop3A_661 = tpu.scan <sum>, %parallel_loop3A_658 masked %parallel_loop3A_660 : vector<16xf32>, vector<16xi1> -> vector<16xf32>
      %parallel_loop3A_662 = vector.extract %parallel_loop3A_661[15] : f32 from vector<16xf32>
      %parallel_loop3A_663 = arith.mulf %parallel_loop3A_397, %parallel_loop3A_397 : vector<16xf32>
      %parallel_loop3A_664 = arith.mulf %parallel_loop3A_404, %parallel_loop3A_404 : vector<16xf32>
      %parallel_loop3A_665 = arith.mulf %parallel_loop3A_411, %parallel_loop3A_411 : vector<16xf32>
      %parallel_loop3A_666 = arith.mulf %parallel_loop3A_418, %parallel_loop3A_418 : vector<16xf32>
      %parallel_loop3A_667 = arith.addf %parallel_loop3A_663, %parallel_loop3A_664 : vector<16xf32>
      %parallel_loop3A_668 = arith.addf %parallel_loop3A_667, %parallel_loop3A_665 : vector<16xf32>
      %parallel_loop3A_669 = arith.addf %parallel_loop3A_668, %parallel_loop3A_666 : vector<16xf32>
      %parallel_loop3A_670 = arith.constant true
      %parallel_loop3A_671 = vector.broadcast %parallel_loop3A_670 : i1 to vector<16xi1>
      %parallel_loop3A_672 = tpu.scan <sum>, %parallel_loop3A_669 masked %parallel_loop3A_671 : vector<16xf32>, vector<16xi1> -> vector<16xf32>
      %parallel_loop3A_673 = vector.extract %parallel_loop3A_672[15] : f32 from vector<16xf32>
      %parallel_loop3A_674 = arith.mulf %parallel_loop3A_425, %parallel_loop3A_425 : vector<16xf32>
      %parallel_loop3A_675 = arith.mulf %parallel_loop3A_432, %parallel_loop3A_432 : vector<16xf32>
      %parallel_loop3A_676 = arith.mulf %parallel_loop3A_439, %parallel_loop3A_439 : vector<16xf32>
      %parallel_loop3A_677 = arith.mulf %parallel_loop3A_446, %parallel_loop3A_446 : vector<16xf32>
      %parallel_loop3A_678 = arith.addf %parallel_loop3A_674, %parallel_loop3A_675 : vector<16xf32>
      %parallel_loop3A_679 = arith.addf %parallel_loop3A_678, %parallel_loop3A_676 : vector<16xf32>
      %parallel_loop3A_680 = arith.addf %parallel_loop3A_679, %parallel_loop3A_677 : vector<16xf32>
      %parallel_loop3A_681 = arith.constant true
      %parallel_loop3A_682 = vector.broadcast %parallel_loop3A_681 : i1 to vector<16xi1>
      %parallel_loop3A_683 = tpu.scan <sum>, %parallel_loop3A_680 masked %parallel_loop3A_682 : vector<16xf32>, vector<16xi1> -> vector<16xf32>
      %parallel_loop3A_684 = vector.extract %parallel_loop3A_683[15] : f32 from vector<16xf32>
      %parallel_loop3A_685 = arith.mulf %parallel_loop3A_453, %parallel_loop3A_453 : vector<16xf32>
      %parallel_loop3A_686 = arith.mulf %parallel_loop3A_460, %parallel_loop3A_460 : vector<16xf32>
      %parallel_loop3A_687 = arith.mulf %parallel_loop3A_467, %parallel_loop3A_467 : vector<16xf32>
      %parallel_loop3A_688 = arith.mulf %parallel_loop3A_474, %parallel_loop3A_474 : vector<16xf32>
      %parallel_loop3A_689 = arith.addf %parallel_loop3A_685, %parallel_loop3A_686 : vector<16xf32>
      %parallel_loop3A_690 = arith.addf %parallel_loop3A_689, %parallel_loop3A_687 : vector<16xf32>
      %parallel_loop3A_691 = arith.addf %parallel_loop3A_690, %parallel_loop3A_688 : vector<16xf32>
      %parallel_loop3A_692 = arith.constant true
      %parallel_loop3A_693 = vector.broadcast %parallel_loop3A_692 : i1 to vector<16xi1>
      %parallel_loop3A_694 = tpu.scan <sum>, %parallel_loop3A_691 masked %parallel_loop3A_693 : vector<16xf32>, vector<16xi1> -> vector<16xf32>
      %parallel_loop3A_695 = vector.extract %parallel_loop3A_694[15] : f32 from vector<16xf32>
      %parallel_loop3A_696 = arith.mulf %parallel_loop3A_481, %parallel_loop3A_481 : vector<16xf32>
      %parallel_loop3A_697 = arith.mulf %parallel_loop3A_488, %parallel_loop3A_488 : vector<16xf32>
      %parallel_loop3A_698 = arith.mulf %parallel_loop3A_495, %parallel_loop3A_495 : vector<16xf32>
      %parallel_loop3A_699 = arith.mulf %parallel_loop3A_502, %parallel_loop3A_502 : vector<16xf32>
      %parallel_loop3A_700 = arith.addf %parallel_loop3A_696, %parallel_loop3A_697 : vector<16xf32>
      %parallel_loop3A_701 = arith.addf %parallel_loop3A_700, %parallel_loop3A_698 : vector<16xf32>
      %parallel_loop3A_702 = arith.addf %parallel_loop3A_701, %parallel_loop3A_699 : vector<16xf32>
      %parallel_loop3A_703 = arith.constant true
      %parallel_loop3A_704 = vector.broadcast %parallel_loop3A_703 : i1 to vector<16xi1>
      %parallel_loop3A_705 = tpu.scan <sum>, %parallel_loop3A_702 masked %parallel_loop3A_704 : vector<16xf32>, vector<16xi1> -> vector<16xf32>
      %parallel_loop3A_706 = vector.extract %parallel_loop3A_705[15] : f32 from vector<16xf32>
      %parallel_loop3A_707 = arith.mulf %parallel_loop3A_509, %parallel_loop3A_509 : vector<16xf32>
      %parallel_loop3A_708 = arith.mulf %parallel_loop3A_516, %parallel_loop3A_516 : vector<16xf32>
      %parallel_loop3A_709 = arith.mulf %parallel_loop3A_523, %parallel_loop3A_523 : vector<16xf32>
      %parallel_loop3A_710 = arith.mulf %parallel_loop3A_530, %parallel_loop3A_530 : vector<16xf32>
      %parallel_loop3A_711 = arith.addf %parallel_loop3A_707, %parallel_loop3A_708 : vector<16xf32>
      %parallel_loop3A_712 = arith.addf %parallel_loop3A_711, %parallel_loop3A_709 : vector<16xf32>
      %parallel_loop3A_713 = arith.addf %parallel_loop3A_712, %parallel_loop3A_710 : vector<16xf32>
      %parallel_loop3A_714 = arith.constant true
      %parallel_loop3A_715 = vector.broadcast %parallel_loop3A_714 : i1 to vector<16xi1>
      %parallel_loop3A_716 = tpu.scan <sum>, %parallel_loop3A_713 masked %parallel_loop3A_715 : vector<16xf32>, vector<16xi1> -> vector<16xf32>
      %parallel_loop3A_717 = vector.extract %parallel_loop3A_716[15] : f32 from vector<16xf32>
      %parallel_loop3A_718 = arith.mulf %parallel_loop3A_89, %parallel_loop3A_61 : vector<16xf32>
      %parallel_loop3A_719 = arith.mulf %parallel_loop3A_96, %parallel_loop3A_68 : vector<16xf32>
      %parallel_loop3A_720 = arith.mulf %parallel_loop3A_103, %parallel_loop3A_75 : vector<16xf32>
      %parallel_loop3A_721 = arith.mulf %parallel_loop3A_110, %parallel_loop3A_82 : vector<16xf32>
      %parallel_loop3A_722 = arith.addf %parallel_loop3A_718, %parallel_loop3A_719 : vector<16xf32>
      %parallel_loop3A_723 = arith.addf %parallel_loop3A_722, %parallel_loop3A_720 : vector<16xf32>
      %parallel_loop3A_724 = arith.addf %parallel_loop3A_723, %parallel_loop3A_721 : vector<16xf32>
      %parallel_loop3A_725 = arith.constant true
      %parallel_loop3A_726 = vector.broadcast %parallel_loop3A_725 : i1 to vector<16xi1>
      %parallel_loop3A_727 = tpu.scan <sum>, %parallel_loop3A_724 masked %parallel_loop3A_726 : vector<16xf32>, vector<16xi1> -> vector<16xf32>
      %parallel_loop3A_728 = vector.extract %parallel_loop3A_727[15] : f32 from vector<16xf32>
      %parallel_loop3A_729 = arith.mulf %parallel_loop3A_117, %parallel_loop3A_89 : vector<16xf32>
      %parallel_loop3A_730 = arith.mulf %parallel_loop3A_124, %parallel_loop3A_96 : vector<16xf32>
      %parallel_loop3A_731 = arith.mulf %parallel_loop3A_131, %parallel_loop3A_103 : vector<16xf32>
      %parallel_loop3A_732 = arith.mulf %parallel_loop3A_138, %parallel_loop3A_110 : vector<16xf32>
      %parallel_loop3A_733 = arith.addf %parallel_loop3A_729, %parallel_loop3A_730 : vector<16xf32>
      %parallel_loop3A_734 = arith.addf %parallel_loop3A_733, %parallel_loop3A_731 : vector<16xf32>
      %parallel_loop3A_735 = arith.addf %parallel_loop3A_734, %parallel_loop3A_732 : vector<16xf32>
      %parallel_loop3A_736 = arith.constant true
      %parallel_loop3A_737 = vector.broadcast %parallel_loop3A_736 : i1 to vector<16xi1>
      %parallel_loop3A_738 = tpu.scan <sum>, %parallel_loop3A_735 masked %parallel_loop3A_737 : vector<16xf32>, vector<16xi1> -> vector<16xf32>
      %parallel_loop3A_739 = vector.extract %parallel_loop3A_738[15] : f32 from vector<16xf32>
      %parallel_loop3A_740 = arith.mulf %parallel_loop3A_145, %parallel_loop3A_117 : vector<16xf32>
      %parallel_loop3A_741 = arith.mulf %parallel_loop3A_152, %parallel_loop3A_124 : vector<16xf32>
      %parallel_loop3A_742 = arith.mulf %parallel_loop3A_159, %parallel_loop3A_131 : vector<16xf32>
      %parallel_loop3A_743 = arith.mulf %parallel_loop3A_166, %parallel_loop3A_138 : vector<16xf32>
      %parallel_loop3A_744 = arith.addf %parallel_loop3A_740, %parallel_loop3A_741 : vector<16xf32>
      %parallel_loop3A_745 = arith.addf %parallel_loop3A_744, %parallel_loop3A_742 : vector<16xf32>
      %parallel_loop3A_746 = arith.addf %parallel_loop3A_745, %parallel_loop3A_743 : vector<16xf32>
      %parallel_loop3A_747 = arith.constant true
      %parallel_loop3A_748 = vector.broadcast %parallel_loop3A_747 : i1 to vector<16xi1>
      %parallel_loop3A_749 = tpu.scan <sum>, %parallel_loop3A_746 masked %parallel_loop3A_748 : vector<16xf32>, vector<16xi1> -> vector<16xf32>
      %parallel_loop3A_750 = vector.extract %parallel_loop3A_749[15] : f32 from vector<16xf32>
      %parallel_loop3A_751 = arith.mulf %parallel_loop3A_173, %parallel_loop3A_145 : vector<16xf32>
      %parallel_loop3A_752 = arith.mulf %parallel_loop3A_180, %parallel_loop3A_152 : vector<16xf32>
      %parallel_loop3A_753 = arith.mulf %parallel_loop3A_187, %parallel_loop3A_159 : vector<16xf32>
      %parallel_loop3A_754 = arith.mulf %parallel_loop3A_194, %parallel_loop3A_166 : vector<16xf32>
      %parallel_loop3A_755 = arith.addf %parallel_loop3A_751, %parallel_loop3A_752 : vector<16xf32>
      %parallel_loop3A_756 = arith.addf %parallel_loop3A_755, %parallel_loop3A_753 : vector<16xf32>
      %parallel_loop3A_757 = arith.addf %parallel_loop3A_756, %parallel_loop3A_754 : vector<16xf32>
      %parallel_loop3A_758 = arith.constant true
      %parallel_loop3A_759 = vector.broadcast %parallel_loop3A_758 : i1 to vector<16xi1>
      %parallel_loop3A_760 = tpu.scan <sum>, %parallel_loop3A_757 masked %parallel_loop3A_759 : vector<16xf32>, vector<16xi1> -> vector<16xf32>
      %parallel_loop3A_761 = vector.extract %parallel_loop3A_760[15] : f32 from vector<16xf32>
      %parallel_loop3A_762 = arith.mulf %parallel_loop3A_201, %parallel_loop3A_173 : vector<16xf32>
      %parallel_loop3A_763 = arith.mulf %parallel_loop3A_208, %parallel_loop3A_180 : vector<16xf32>
      %parallel_loop3A_764 = arith.mulf %parallel_loop3A_215, %parallel_loop3A_187 : vector<16xf32>
      %parallel_loop3A_765 = arith.mulf %parallel_loop3A_222, %parallel_loop3A_194 : vector<16xf32>
      %parallel_loop3A_766 = arith.addf %parallel_loop3A_762, %parallel_loop3A_763 : vector<16xf32>
      %parallel_loop3A_767 = arith.addf %parallel_loop3A_766, %parallel_loop3A_764 : vector<16xf32>
      %parallel_loop3A_768 = arith.addf %parallel_loop3A_767, %parallel_loop3A_765 : vector<16xf32>
      %parallel_loop3A_769 = arith.constant true
      %parallel_loop3A_770 = vector.broadcast %parallel_loop3A_769 : i1 to vector<16xi1>
      %parallel_loop3A_771 = tpu.scan <sum>, %parallel_loop3A_768 masked %parallel_loop3A_770 : vector<16xf32>, vector<16xi1> -> vector<16xf32>
      %parallel_loop3A_772 = vector.extract %parallel_loop3A_771[15] : f32 from vector<16xf32>
      %parallel_loop3A_773 = arith.mulf %parallel_loop3A_229, %parallel_loop3A_201 : vector<16xf32>
      %parallel_loop3A_774 = arith.mulf %parallel_loop3A_236, %parallel_loop3A_208 : vector<16xf32>
      %parallel_loop3A_775 = arith.mulf %parallel_loop3A_243, %parallel_loop3A_215 : vector<16xf32>
      %parallel_loop3A_776 = arith.mulf %parallel_loop3A_250, %parallel_loop3A_222 : vector<16xf32>
      %parallel_loop3A_777 = arith.addf %parallel_loop3A_773, %parallel_loop3A_774 : vector<16xf32>
      %parallel_loop3A_778 = arith.addf %parallel_loop3A_777, %parallel_loop3A_775 : vector<16xf32>
      %parallel_loop3A_779 = arith.addf %parallel_loop3A_778, %parallel_loop3A_776 : vector<16xf32>
      %parallel_loop3A_780 = arith.constant true
      %parallel_loop3A_781 = vector.broadcast %parallel_loop3A_780 : i1 to vector<16xi1>
      %parallel_loop3A_782 = tpu.scan <sum>, %parallel_loop3A_779 masked %parallel_loop3A_781 : vector<16xf32>, vector<16xi1> -> vector<16xf32>
      %parallel_loop3A_783 = vector.extract %parallel_loop3A_782[15] : f32 from vector<16xf32>
      %parallel_loop3A_784 = arith.mulf %parallel_loop3A_257, %parallel_loop3A_229 : vector<16xf32>
      %parallel_loop3A_785 = arith.mulf %parallel_loop3A_264, %parallel_loop3A_236 : vector<16xf32>
      %parallel_loop3A_786 = arith.mulf %parallel_loop3A_271, %parallel_loop3A_243 : vector<16xf32>
      %parallel_loop3A_787 = arith.mulf %parallel_loop3A_278, %parallel_loop3A_250 : vector<16xf32>
      %parallel_loop3A_788 = arith.addf %parallel_loop3A_784, %parallel_loop3A_785 : vector<16xf32>
      %parallel_loop3A_789 = arith.addf %parallel_loop3A_788, %parallel_loop3A_786 : vector<16xf32>
      %parallel_loop3A_790 = arith.addf %parallel_loop3A_789, %parallel_loop3A_787 : vector<16xf32>
      %parallel_loop3A_791 = arith.constant true
      %parallel_loop3A_792 = vector.broadcast %parallel_loop3A_791 : i1 to vector<16xi1>
      %parallel_loop3A_793 = tpu.scan <sum>, %parallel_loop3A_790 masked %parallel_loop3A_792 : vector<16xf32>, vector<16xi1> -> vector<16xf32>
      %parallel_loop3A_794 = vector.extract %parallel_loop3A_793[15] : f32 from vector<16xf32>
      %parallel_loop3A_795 = arith.mulf %parallel_loop3A_285, %parallel_loop3A_257 : vector<16xf32>
      %parallel_loop3A_796 = arith.mulf %parallel_loop3A_292, %parallel_loop3A_264 : vector<16xf32>
      %parallel_loop3A_797 = arith.mulf %parallel_loop3A_299, %parallel_loop3A_271 : vector<16xf32>
      %parallel_loop3A_798 = arith.mulf %parallel_loop3A_306, %parallel_loop3A_278 : vector<16xf32>
      %parallel_loop3A_799 = arith.addf %parallel_loop3A_795, %parallel_loop3A_796 : vector<16xf32>
      %parallel_loop3A_800 = arith.addf %parallel_loop3A_799, %parallel_loop3A_797 : vector<16xf32>
      %parallel_loop3A_801 = arith.addf %parallel_loop3A_800, %parallel_loop3A_798 : vector<16xf32>
      %parallel_loop3A_802 = arith.constant true
      %parallel_loop3A_803 = vector.broadcast %parallel_loop3A_802 : i1 to vector<16xi1>
      %parallel_loop3A_804 = tpu.scan <sum>, %parallel_loop3A_801 masked %parallel_loop3A_803 : vector<16xf32>, vector<16xi1> -> vector<16xf32>
      %parallel_loop3A_805 = vector.extract %parallel_loop3A_804[15] : f32 from vector<16xf32>
      %parallel_loop3A_806 = arith.mulf %parallel_loop3A_313, %parallel_loop3A_285 : vector<16xf32>
      %parallel_loop3A_807 = arith.mulf %parallel_loop3A_320, %parallel_loop3A_292 : vector<16xf32>
      %parallel_loop3A_808 = arith.mulf %parallel_loop3A_327, %parallel_loop3A_299 : vector<16xf32>
      %parallel_loop3A_809 = arith.mulf %parallel_loop3A_334, %parallel_loop3A_306 : vector<16xf32>
      %parallel_loop3A_810 = arith.addf %parallel_loop3A_806, %parallel_loop3A_807 : vector<16xf32>
      %parallel_loop3A_811 = arith.addf %parallel_loop3A_810, %parallel_loop3A_808 : vector<16xf32>
      %parallel_loop3A_812 = arith.addf %parallel_loop3A_811, %parallel_loop3A_809 : vector<16xf32>
      %parallel_loop3A_813 = arith.constant true
      %parallel_loop3A_814 = vector.broadcast %parallel_loop3A_813 : i1 to vector<16xi1>
      %parallel_loop3A_815 = tpu.scan <sum>, %parallel_loop3A_812 masked %parallel_loop3A_814 : vector<16xf32>, vector<16xi1> -> vector<16xf32>
      %parallel_loop3A_816 = vector.extract %parallel_loop3A_815[15] : f32 from vector<16xf32>
      %parallel_loop3A_817 = arith.mulf %parallel_loop3A_341, %parallel_loop3A_313 : vector<16xf32>
      %parallel_loop3A_818 = arith.mulf %parallel_loop3A_348, %parallel_loop3A_320 : vector<16xf32>
      %parallel_loop3A_819 = arith.mulf %parallel_loop3A_355, %parallel_loop3A_327 : vector<16xf32>
      %parallel_loop3A_820 = arith.mulf %parallel_loop3A_362, %parallel_loop3A_334 : vector<16xf32>
      %parallel_loop3A_821 = arith.addf %parallel_loop3A_817, %parallel_loop3A_818 : vector<16xf32>
      %parallel_loop3A_822 = arith.addf %parallel_loop3A_821, %parallel_loop3A_819 : vector<16xf32>
      %parallel_loop3A_823 = arith.addf %parallel_loop3A_822, %parallel_loop3A_820 : vector<16xf32>
      %parallel_loop3A_824 = arith.constant true
      %parallel_loop3A_825 = vector.broadcast %parallel_loop3A_824 : i1 to vector<16xi1>
      %parallel_loop3A_826 = tpu.scan <sum>, %parallel_loop3A_823 masked %parallel_loop3A_825 : vector<16xf32>, vector<16xi1> -> vector<16xf32>
      %parallel_loop3A_827 = vector.extract %parallel_loop3A_826[15] : f32 from vector<16xf32>
      %parallel_loop3A_828 = arith.mulf %parallel_loop3A_369, %parallel_loop3A_341 : vector<16xf32>
      %parallel_loop3A_829 = arith.mulf %parallel_loop3A_376, %parallel_loop3A_348 : vector<16xf32>
      %parallel_loop3A_830 = arith.mulf %parallel_loop3A_383, %parallel_loop3A_355 : vector<16xf32>
      %parallel_loop3A_831 = arith.mulf %parallel_loop3A_390, %parallel_loop3A_362 : vector<16xf32>
      %parallel_loop3A_832 = arith.addf %parallel_loop3A_828, %parallel_loop3A_829 : vector<16xf32>
      %parallel_loop3A_833 = arith.addf %parallel_loop3A_832, %parallel_loop3A_830 : vector<16xf32>
      %parallel_loop3A_834 = arith.addf %parallel_loop3A_833, %parallel_loop3A_831 : vector<16xf32>
      %parallel_loop3A_835 = arith.constant true
      %parallel_loop3A_836 = vector.broadcast %parallel_loop3A_835 : i1 to vector<16xi1>
      %parallel_loop3A_837 = tpu.scan <sum>, %parallel_loop3A_834 masked %parallel_loop3A_836 : vector<16xf32>, vector<16xi1> -> vector<16xf32>
      %parallel_loop3A_838 = vector.extract %parallel_loop3A_837[15] : f32 from vector<16xf32>
      %parallel_loop3A_839 = arith.mulf %parallel_loop3A_397, %parallel_loop3A_369 : vector<16xf32>
      %parallel_loop3A_840 = arith.mulf %parallel_loop3A_404, %parallel_loop3A_376 : vector<16xf32>
      %parallel_loop3A_841 = arith.mulf %parallel_loop3A_411, %parallel_loop3A_383 : vector<16xf32>
      %parallel_loop3A_842 = arith.mulf %parallel_loop3A_418, %parallel_loop3A_390 : vector<16xf32>
      %parallel_loop3A_843 = arith.addf %parallel_loop3A_839, %parallel_loop3A_840 : vector<16xf32>
      %parallel_loop3A_844 = arith.addf %parallel_loop3A_843, %parallel_loop3A_841 : vector<16xf32>
      %parallel_loop3A_845 = arith.addf %parallel_loop3A_844, %parallel_loop3A_842 : vector<16xf32>
      %parallel_loop3A_846 = arith.constant true
      %parallel_loop3A_847 = vector.broadcast %parallel_loop3A_846 : i1 to vector<16xi1>
      %parallel_loop3A_848 = tpu.scan <sum>, %parallel_loop3A_845 masked %parallel_loop3A_847 : vector<16xf32>, vector<16xi1> -> vector<16xf32>
      %parallel_loop3A_849 = vector.extract %parallel_loop3A_848[15] : f32 from vector<16xf32>
      %parallel_loop3A_850 = arith.mulf %parallel_loop3A_425, %parallel_loop3A_397 : vector<16xf32>
      %parallel_loop3A_851 = arith.mulf %parallel_loop3A_432, %parallel_loop3A_404 : vector<16xf32>
      %parallel_loop3A_852 = arith.mulf %parallel_loop3A_439, %parallel_loop3A_411 : vector<16xf32>
      %parallel_loop3A_853 = arith.mulf %parallel_loop3A_446, %parallel_loop3A_418 : vector<16xf32>
      %parallel_loop3A_854 = arith.addf %parallel_loop3A_850, %parallel_loop3A_851 : vector<16xf32>
      %parallel_loop3A_855 = arith.addf %parallel_loop3A_854, %parallel_loop3A_852 : vector<16xf32>
      %parallel_loop3A_856 = arith.addf %parallel_loop3A_855, %parallel_loop3A_853 : vector<16xf32>
      %parallel_loop3A_857 = arith.constant true
      %parallel_loop3A_858 = vector.broadcast %parallel_loop3A_857 : i1 to vector<16xi1>
      %parallel_loop3A_859 = tpu.scan <sum>, %parallel_loop3A_856 masked %parallel_loop3A_858 : vector<16xf32>, vector<16xi1> -> vector<16xf32>
      %parallel_loop3A_860 = vector.extract %parallel_loop3A_859[15] : f32 from vector<16xf32>
      %parallel_loop3A_861 = arith.mulf %parallel_loop3A_453, %parallel_loop3A_425 : vector<16xf32>
      %parallel_loop3A_862 = arith.mulf %parallel_loop3A_460, %parallel_loop3A_432 : vector<16xf32>
      %parallel_loop3A_863 = arith.mulf %parallel_loop3A_467, %parallel_loop3A_439 : vector<16xf32>
      %parallel_loop3A_864 = arith.mulf %parallel_loop3A_474, %parallel_loop3A_446 : vector<16xf32>
      %parallel_loop3A_865 = arith.addf %parallel_loop3A_861, %parallel_loop3A_862 : vector<16xf32>
      %parallel_loop3A_866 = arith.addf %parallel_loop3A_865, %parallel_loop3A_863 : vector<16xf32>
      %parallel_loop3A_867 = arith.addf %parallel_loop3A_866, %parallel_loop3A_864 : vector<16xf32>
      %parallel_loop3A_868 = arith.constant true
      %parallel_loop3A_869 = vector.broadcast %parallel_loop3A_868 : i1 to vector<16xi1>
      %parallel_loop3A_870 = tpu.scan <sum>, %parallel_loop3A_867 masked %parallel_loop3A_869 : vector<16xf32>, vector<16xi1> -> vector<16xf32>
      %parallel_loop3A_871 = vector.extract %parallel_loop3A_870[15] : f32 from vector<16xf32>
      %parallel_loop3A_872 = arith.mulf %parallel_loop3A_481, %parallel_loop3A_453 : vector<16xf32>
      %parallel_loop3A_873 = arith.mulf %parallel_loop3A_488, %parallel_loop3A_460 : vector<16xf32>
      %parallel_loop3A_874 = arith.mulf %parallel_loop3A_495, %parallel_loop3A_467 : vector<16xf32>
      %parallel_loop3A_875 = arith.mulf %parallel_loop3A_502, %parallel_loop3A_474 : vector<16xf32>
      %parallel_loop3A_876 = arith.addf %parallel_loop3A_872, %parallel_loop3A_873 : vector<16xf32>
      %parallel_loop3A_877 = arith.addf %parallel_loop3A_876, %parallel_loop3A_874 : vector<16xf32>
      %parallel_loop3A_878 = arith.addf %parallel_loop3A_877, %parallel_loop3A_875 : vector<16xf32>
      %parallel_loop3A_879 = arith.constant true
      %parallel_loop3A_880 = vector.broadcast %parallel_loop3A_879 : i1 to vector<16xi1>
      %parallel_loop3A_881 = tpu.scan <sum>, %parallel_loop3A_878 masked %parallel_loop3A_880 : vector<16xf32>, vector<16xi1> -> vector<16xf32>
      %parallel_loop3A_882 = vector.extract %parallel_loop3A_881[15] : f32 from vector<16xf32>
      %parallel_loop3A_883 = arith.mulf %parallel_loop3A_509, %parallel_loop3A_481 : vector<16xf32>
      %parallel_loop3A_884 = arith.mulf %parallel_loop3A_516, %parallel_loop3A_488 : vector<16xf32>
      %parallel_loop3A_885 = arith.mulf %parallel_loop3A_523, %parallel_loop3A_495 : vector<16xf32>
      %parallel_loop3A_886 = arith.mulf %parallel_loop3A_530, %parallel_loop3A_502 : vector<16xf32>
      %parallel_loop3A_887 = arith.addf %parallel_loop3A_883, %parallel_loop3A_884 : vector<16xf32>
      %parallel_loop3A_888 = arith.addf %parallel_loop3A_887, %parallel_loop3A_885 : vector<16xf32>
      %parallel_loop3A_889 = arith.addf %parallel_loop3A_888, %parallel_loop3A_886 : vector<16xf32>
      %parallel_loop3A_890 = arith.constant true
      %parallel_loop3A_891 = vector.broadcast %parallel_loop3A_890 : i1 to vector<16xi1>
      %parallel_loop3A_892 = tpu.scan <sum>, %parallel_loop3A_889 masked %parallel_loop3A_891 : vector<16xf32>, vector<16xi1> -> vector<16xf32>
      %parallel_loop3A_893 = vector.extract %parallel_loop3A_892[15] : f32 from vector<16xf32>
      %parallel_loop3A_894 = arith.constant 0 : i32
      %parallel_loop3A_895 = vector.broadcast %parallel_loop3A_894 : i32 to vector<16xi32>
      %parallel_loop3A_896 = arith.cmpi eq, %iota3A, %parallel_loop3A_895 : vector<16xi32>
      %parallel_loop3A_897 = vector.broadcast %parallel_loop3A_552 : f32 to vector<16xf32>
      %parallel_loop3A_898 = arith.select %parallel_loop3A_896, %parallel_loop3A_897, %broadcast_in_dim3A_44 : vector<16xi1>, vector<16xf32>
      %parallel_loop3A_899 = vector.broadcast %parallel_loop3A_541 : f32 to vector<16xf32>
      %parallel_loop3A_900 = arith.select %parallel_loop3A_896, %parallel_loop3A_899, %broadcast_in_dim3A_44 : vector<16xi1>, vector<16xf32>
      %parallel_loop3A_901 = vector.broadcast %parallel_loop3A_728 : f32 to vector<16xf32>
      %parallel_loop3A_902 = arith.select %parallel_loop3A_896, %parallel_loop3A_901, %broadcast_in_dim3A_44 : vector<16xi1>, vector<16xf32>
      %parallel_loop3A_903 = arith.constant 1 : i32
      %parallel_loop3A_904 = vector.broadcast %parallel_loop3A_903 : i32 to vector<16xi32>
      %parallel_loop3A_905 = arith.cmpi eq, %iota3A, %parallel_loop3A_904 : vector<16xi32>
      %parallel_loop3A_906 = vector.broadcast %parallel_loop3A_563 : f32 to vector<16xf32>
      %parallel_loop3A_907 = arith.select %parallel_loop3A_905, %parallel_loop3A_906, %parallel_loop3A_898 : vector<16xi1>, vector<16xf32>
      %parallel_loop3A_908 = vector.broadcast %parallel_loop3A_552 : f32 to vector<16xf32>
      %parallel_loop3A_909 = arith.select %parallel_loop3A_905, %parallel_loop3A_908, %parallel_loop3A_900 : vector<16xi1>, vector<16xf32>
      %parallel_loop3A_910 = vector.broadcast %parallel_loop3A_739 : f32 to vector<16xf32>
      %parallel_loop3A_911 = arith.select %parallel_loop3A_905, %parallel_loop3A_910, %parallel_loop3A_902 : vector<16xi1>, vector<16xf32>
      %parallel_loop3A_912 = arith.constant 2 : i32
      %parallel_loop3A_913 = vector.broadcast %parallel_loop3A_912 : i32 to vector<16xi32>
      %parallel_loop3A_914 = arith.cmpi eq, %iota3A, %parallel_loop3A_913 : vector<16xi32>
      %parallel_loop3A_915 = vector.broadcast %parallel_loop3A_574 : f32 to vector<16xf32>
      %parallel_loop3A_916 = arith.select %parallel_loop3A_914, %parallel_loop3A_915, %parallel_loop3A_907 : vector<16xi1>, vector<16xf32>
      %parallel_loop3A_917 = vector.broadcast %parallel_loop3A_563 : f32 to vector<16xf32>
      %parallel_loop3A_918 = arith.select %parallel_loop3A_914, %parallel_loop3A_917, %parallel_loop3A_909 : vector<16xi1>, vector<16xf32>
      %parallel_loop3A_919 = vector.broadcast %parallel_loop3A_750 : f32 to vector<16xf32>
      %parallel_loop3A_920 = arith.select %parallel_loop3A_914, %parallel_loop3A_919, %parallel_loop3A_911 : vector<16xi1>, vector<16xf32>
      %parallel_loop3A_921 = arith.constant 3 : i32
      %parallel_loop3A_922 = vector.broadcast %parallel_loop3A_921 : i32 to vector<16xi32>
      %parallel_loop3A_923 = arith.cmpi eq, %iota3A, %parallel_loop3A_922 : vector<16xi32>
      %parallel_loop3A_924 = vector.broadcast %parallel_loop3A_585 : f32 to vector<16xf32>
      %parallel_loop3A_925 = arith.select %parallel_loop3A_923, %parallel_loop3A_924, %parallel_loop3A_916 : vector<16xi1>, vector<16xf32>
      %parallel_loop3A_926 = vector.broadcast %parallel_loop3A_574 : f32 to vector<16xf32>
      %parallel_loop3A_927 = arith.select %parallel_loop3A_923, %parallel_loop3A_926, %parallel_loop3A_918 : vector<16xi1>, vector<16xf32>
      %parallel_loop3A_928 = vector.broadcast %parallel_loop3A_761 : f32 to vector<16xf32>
      %parallel_loop3A_929 = arith.select %parallel_loop3A_923, %parallel_loop3A_928, %parallel_loop3A_920 : vector<16xi1>, vector<16xf32>
      %parallel_loop3A_930 = arith.constant 4 : i32
      %parallel_loop3A_931 = vector.broadcast %parallel_loop3A_930 : i32 to vector<16xi32>
      %parallel_loop3A_932 = arith.cmpi eq, %iota3A, %parallel_loop3A_931 : vector<16xi32>
      %parallel_loop3A_933 = vector.broadcast %parallel_loop3A_596 : f32 to vector<16xf32>
      %parallel_loop3A_934 = arith.select %parallel_loop3A_932, %parallel_loop3A_933, %parallel_loop3A_925 : vector<16xi1>, vector<16xf32>
      %parallel_loop3A_935 = vector.broadcast %parallel_loop3A_585 : f32 to vector<16xf32>
      %parallel_loop3A_936 = arith.select %parallel_loop3A_932, %parallel_loop3A_935, %parallel_loop3A_927 : vector<16xi1>, vector<16xf32>
      %parallel_loop3A_937 = vector.broadcast %parallel_loop3A_772 : f32 to vector<16xf32>
      %parallel_loop3A_938 = arith.select %parallel_loop3A_932, %parallel_loop3A_937, %parallel_loop3A_929 : vector<16xi1>, vector<16xf32>
      %parallel_loop3A_939 = arith.constant 5 : i32
      %parallel_loop3A_940 = vector.broadcast %parallel_loop3A_939 : i32 to vector<16xi32>
      %parallel_loop3A_941 = arith.cmpi eq, %iota3A, %parallel_loop3A_940 : vector<16xi32>
      %parallel_loop3A_942 = vector.broadcast %parallel_loop3A_607 : f32 to vector<16xf32>
      %parallel_loop3A_943 = arith.select %parallel_loop3A_941, %parallel_loop3A_942, %parallel_loop3A_934 : vector<16xi1>, vector<16xf32>
      %parallel_loop3A_944 = vector.broadcast %parallel_loop3A_596 : f32 to vector<16xf32>
      %parallel_loop3A_945 = arith.select %parallel_loop3A_941, %parallel_loop3A_944, %parallel_loop3A_936 : vector<16xi1>, vector<16xf32>
      %parallel_loop3A_946 = vector.broadcast %parallel_loop3A_783 : f32 to vector<16xf32>
      %parallel_loop3A_947 = arith.select %parallel_loop3A_941, %parallel_loop3A_946, %parallel_loop3A_938 : vector<16xi1>, vector<16xf32>
      %parallel_loop3A_948 = arith.constant 6 : i32
      %parallel_loop3A_949 = vector.broadcast %parallel_loop3A_948 : i32 to vector<16xi32>
      %parallel_loop3A_950 = arith.cmpi eq, %iota3A, %parallel_loop3A_949 : vector<16xi32>
      %parallel_loop3A_951 = vector.broadcast %parallel_loop3A_618 : f32 to vector<16xf32>
      %parallel_loop3A_952 = arith.select %parallel_loop3A_950, %parallel_loop3A_951, %parallel_loop3A_943 : vector<16xi1>, vector<16xf32>
      %parallel_loop3A_953 = vector.broadcast %parallel_loop3A_607 : f32 to vector<16xf32>
      %parallel_loop3A_954 = arith.select %parallel_loop3A_950, %parallel_loop3A_953, %parallel_loop3A_945 : vector<16xi1>, vector<16xf32>
      %parallel_loop3A_955 = vector.broadcast %parallel_loop3A_794 : f32 to vector<16xf32>
      %parallel_loop3A_956 = arith.select %parallel_loop3A_950, %parallel_loop3A_955, %parallel_loop3A_947 : vector<16xi1>, vector<16xf32>
      %parallel_loop3A_957 = arith.constant 7 : i32
      %parallel_loop3A_958 = vector.broadcast %parallel_loop3A_957 : i32 to vector<16xi32>
      %parallel_loop3A_959 = arith.cmpi eq, %iota3A, %parallel_loop3A_958 : vector<16xi32>
      %parallel_loop3A_960 = vector.broadcast %parallel_loop3A_629 : f32 to vector<16xf32>
      %parallel_loop3A_961 = arith.select %parallel_loop3A_959, %parallel_loop3A_960, %parallel_loop3A_952 : vector<16xi1>, vector<16xf32>
      %parallel_loop3A_962 = vector.broadcast %parallel_loop3A_618 : f32 to vector<16xf32>
      %parallel_loop3A_963 = arith.select %parallel_loop3A_959, %parallel_loop3A_962, %parallel_loop3A_954 : vector<16xi1>, vector<16xf32>
      %parallel_loop3A_964 = vector.broadcast %parallel_loop3A_805 : f32 to vector<16xf32>
      %parallel_loop3A_965 = arith.select %parallel_loop3A_959, %parallel_loop3A_964, %parallel_loop3A_956 : vector<16xi1>, vector<16xf32>
      %parallel_loop3A_966 = arith.constant 8 : i32
      %parallel_loop3A_967 = vector.broadcast %parallel_loop3A_966 : i32 to vector<16xi32>
      %parallel_loop3A_968 = arith.cmpi eq, %iota3A, %parallel_loop3A_967 : vector<16xi32>
      %parallel_loop3A_969 = vector.broadcast %parallel_loop3A_640 : f32 to vector<16xf32>
      %parallel_loop3A_970 = arith.select %parallel_loop3A_968, %parallel_loop3A_969, %parallel_loop3A_961 : vector<16xi1>, vector<16xf32>
      %parallel_loop3A_971 = vector.broadcast %parallel_loop3A_629 : f32 to vector<16xf32>
      %parallel_loop3A_972 = arith.select %parallel_loop3A_968, %parallel_loop3A_971, %parallel_loop3A_963 : vector<16xi1>, vector<16xf32>
      %parallel_loop3A_973 = vector.broadcast %parallel_loop3A_816 : f32 to vector<16xf32>
      %parallel_loop3A_974 = arith.select %parallel_loop3A_968, %parallel_loop3A_973, %parallel_loop3A_965 : vector<16xi1>, vector<16xf32>
      %parallel_loop3A_975 = arith.constant 9 : i32
      %parallel_loop3A_976 = vector.broadcast %parallel_loop3A_975 : i32 to vector<16xi32>
      %parallel_loop3A_977 = arith.cmpi eq, %iota3A, %parallel_loop3A_976 : vector<16xi32>
      %parallel_loop3A_978 = vector.broadcast %parallel_loop3A_651 : f32 to vector<16xf32>
      %parallel_loop3A_979 = arith.select %parallel_loop3A_977, %parallel_loop3A_978, %parallel_loop3A_970 : vector<16xi1>, vector<16xf32>
      %parallel_loop3A_980 = vector.broadcast %parallel_loop3A_640 : f32 to vector<16xf32>
      %parallel_loop3A_981 = arith.select %parallel_loop3A_977, %parallel_loop3A_980, %parallel_loop3A_972 : vector<16xi1>, vector<16xf32>
      %parallel_loop3A_982 = vector.broadcast %parallel_loop3A_827 : f32 to vector<16xf32>
      %parallel_loop3A_983 = arith.select %parallel_loop3A_977, %parallel_loop3A_982, %parallel_loop3A_974 : vector<16xi1>, vector<16xf32>
      %parallel_loop3A_984 = arith.constant 10 : i32
      %parallel_loop3A_985 = vector.broadcast %parallel_loop3A_984 : i32 to vector<16xi32>
      %parallel_loop3A_986 = arith.cmpi eq, %iota3A, %parallel_loop3A_985 : vector<16xi32>
      %parallel_loop3A_987 = vector.broadcast %parallel_loop3A_662 : f32 to vector<16xf32>
      %parallel_loop3A_988 = arith.select %parallel_loop3A_986, %parallel_loop3A_987, %parallel_loop3A_979 : vector<16xi1>, vector<16xf32>
      %parallel_loop3A_989 = vector.broadcast %parallel_loop3A_651 : f32 to vector<16xf32>
      %parallel_loop3A_990 = arith.select %parallel_loop3A_986, %parallel_loop3A_989, %parallel_loop3A_981 : vector<16xi1>, vector<16xf32>
      %parallel_loop3A_991 = vector.broadcast %parallel_loop3A_838 : f32 to vector<16xf32>
      %parallel_loop3A_992 = arith.select %parallel_loop3A_986, %parallel_loop3A_991, %parallel_loop3A_983 : vector<16xi1>, vector<16xf32>
      %parallel_loop3A_993 = arith.constant 11 : i32
      %parallel_loop3A_994 = vector.broadcast %parallel_loop3A_993 : i32 to vector<16xi32>
      %parallel_loop3A_995 = arith.cmpi eq, %iota3A, %parallel_loop3A_994 : vector<16xi32>
      %parallel_loop3A_996 = vector.broadcast %parallel_loop3A_673 : f32 to vector<16xf32>
      %parallel_loop3A_997 = arith.select %parallel_loop3A_995, %parallel_loop3A_996, %parallel_loop3A_988 : vector<16xi1>, vector<16xf32>
      %parallel_loop3A_998 = vector.broadcast %parallel_loop3A_662 : f32 to vector<16xf32>
      %parallel_loop3A_999 = arith.select %parallel_loop3A_995, %parallel_loop3A_998, %parallel_loop3A_990 : vector<16xi1>, vector<16xf32>
      %parallel_loop3A_1000 = vector.broadcast %parallel_loop3A_849 : f32 to vector<16xf32>
      %parallel_loop3A_1001 = arith.select %parallel_loop3A_995, %parallel_loop3A_1000, %parallel_loop3A_992 : vector<16xi1>, vector<16xf32>
      %parallel_loop3A_1002 = arith.constant 12 : i32
      %parallel_loop3A_1003 = vector.broadcast %parallel_loop3A_1002 : i32 to vector<16xi32>
      %parallel_loop3A_1004 = arith.cmpi eq, %iota3A, %parallel_loop3A_1003 : vector<16xi32>
      %parallel_loop3A_1005 = vector.broadcast %parallel_loop3A_684 : f32 to vector<16xf32>
      %parallel_loop3A_1006 = arith.select %parallel_loop3A_1004, %parallel_loop3A_1005, %parallel_loop3A_997 : vector<16xi1>, vector<16xf32>
      %parallel_loop3A_1007 = vector.broadcast %parallel_loop3A_673 : f32 to vector<16xf32>
      %parallel_loop3A_1008 = arith.select %parallel_loop3A_1004, %parallel_loop3A_1007, %parallel_loop3A_999 : vector<16xi1>, vector<16xf32>
      %parallel_loop3A_1009 = vector.broadcast %parallel_loop3A_860 : f32 to vector<16xf32>
      %parallel_loop3A_1010 = arith.select %parallel_loop3A_1004, %parallel_loop3A_1009, %parallel_loop3A_1001 : vector<16xi1>, vector<16xf32>
      %parallel_loop3A_1011 = arith.constant 13 : i32
      %parallel_loop3A_1012 = vector.broadcast %parallel_loop3A_1011 : i32 to vector<16xi32>
      %parallel_loop3A_1013 = arith.cmpi eq, %iota3A, %parallel_loop3A_1012 : vector<16xi32>
      %parallel_loop3A_1014 = vector.broadcast %parallel_loop3A_695 : f32 to vector<16xf32>
      %parallel_loop3A_1015 = arith.select %parallel_loop3A_1013, %parallel_loop3A_1014, %parallel_loop3A_1006 : vector<16xi1>, vector<16xf32>
      %parallel_loop3A_1016 = vector.broadcast %parallel_loop3A_684 : f32 to vector<16xf32>
      %parallel_loop3A_1017 = arith.select %parallel_loop3A_1013, %parallel_loop3A_1016, %parallel_loop3A_1008 : vector<16xi1>, vector<16xf32>
      %parallel_loop3A_1018 = vector.broadcast %parallel_loop3A_871 : f32 to vector<16xf32>
      %parallel_loop3A_1019 = arith.select %parallel_loop3A_1013, %parallel_loop3A_1018, %parallel_loop3A_1010 : vector<16xi1>, vector<16xf32>
      %parallel_loop3A_1020 = arith.constant 14 : i32
      %parallel_loop3A_1021 = vector.broadcast %parallel_loop3A_1020 : i32 to vector<16xi32>
      %parallel_loop3A_1022 = arith.cmpi eq, %iota3A, %parallel_loop3A_1021 : vector<16xi32>
      %parallel_loop3A_1023 = vector.broadcast %parallel_loop3A_706 : f32 to vector<16xf32>
      %parallel_loop3A_1024 = arith.select %parallel_loop3A_1022, %parallel_loop3A_1023, %parallel_loop3A_1015 : vector<16xi1>, vector<16xf32>
      %parallel_loop3A_1025 = vector.broadcast %parallel_loop3A_695 : f32 to vector<16xf32>
      %parallel_loop3A_1026 = arith.select %parallel_loop3A_1022, %parallel_loop3A_1025, %parallel_loop3A_1017 : vector<16xi1>, vector<16xf32>
      %parallel_loop3A_1027 = vector.broadcast %parallel_loop3A_882 : f32 to vector<16xf32>
      %parallel_loop3A_1028 = arith.select %parallel_loop3A_1022, %parallel_loop3A_1027, %parallel_loop3A_1019 : vector<16xi1>, vector<16xf32>
      %parallel_loop3A_1029 = arith.constant 15 : i32
      %parallel_loop3A_1030 = vector.broadcast %parallel_loop3A_1029 : i32 to vector<16xi32>
      %parallel_loop3A_1031 = arith.cmpi eq, %iota3A, %parallel_loop3A_1030 : vector<16xi32>
      %parallel_loop3A_1032 = vector.broadcast %parallel_loop3A_717 : f32 to vector<16xf32>
      %parallel_loop3A_1033 = arith.select %parallel_loop3A_1031, %parallel_loop3A_1032, %parallel_loop3A_1024 : vector<16xi1>, vector<16xf32>
      %parallel_loop3A_1034 = vector.broadcast %parallel_loop3A_706 : f32 to vector<16xf32>
      %parallel_loop3A_1035 = arith.select %parallel_loop3A_1031, %parallel_loop3A_1034, %parallel_loop3A_1026 : vector<16xi1>, vector<16xf32>
      %parallel_loop3A_1036 = vector.broadcast %parallel_loop3A_893 : f32 to vector<16xf32>
      %parallel_loop3A_1037 = arith.select %parallel_loop3A_1031, %parallel_loop3A_1036, %parallel_loop3A_1028 : vector<16xi1>, vector<16xf32>
      %parallel_loop3A_1038 = arith.constant 1.000000e-30 : f32
      %parallel_loop3A_1039 = vector.broadcast %parallel_loop3A_1038 : f32 to vector<16xf32>
      %parallel_loop3A_1040 = arith.maximumf %parallel_loop3A_1033, %parallel_loop3A_1039 : vector<16xf32>
      %parallel_loop3A_1041 = tpu.bitcast %parallel_loop3A_1040 : vector<16xf32> -> vector<16xi32>
      %parallel_loop3A_1042 = arith.constant 1 : i32
      %parallel_loop3A_1043 = vector.broadcast %parallel_loop3A_1042 : i32 to vector<16xi32>
      %parallel_loop3A_1044 = arith.shrsi %parallel_loop3A_1041, %parallel_loop3A_1043 : vector<16xi32>
      %parallel_loop3A_1045 = arith.constant 1597463007 : i32
      %parallel_loop3A_1046 = vector.broadcast %parallel_loop3A_1045 : i32 to vector<16xi32>
      %parallel_loop3A_1047 = arith.subi %parallel_loop3A_1046, %parallel_loop3A_1044 : vector<16xi32>
      %parallel_loop3A_1048 = tpu.bitcast %parallel_loop3A_1047 : vector<16xi32> -> vector<16xf32>
      %parallel_loop3A_1049 = arith.constant 5.000000e-01 : f32
      %parallel_loop3A_1050 = vector.broadcast %parallel_loop3A_1049 : f32 to vector<16xf32>
      %parallel_loop3A_1051 = arith.mulf %parallel_loop3A_1050, %parallel_loop3A_1040 : vector<16xf32>
      %parallel_loop3A_1052 = arith.mulf %parallel_loop3A_1051, %parallel_loop3A_1048 : vector<16xf32>
      %parallel_loop3A_1053 = arith.mulf %parallel_loop3A_1052, %parallel_loop3A_1048 : vector<16xf32>
      %parallel_loop3A_1054 = arith.constant 1.500000e+00 : f32
      %parallel_loop3A_1055 = vector.broadcast %parallel_loop3A_1054 : f32 to vector<16xf32>
      %parallel_loop3A_1056 = arith.subf %parallel_loop3A_1055, %parallel_loop3A_1053 : vector<16xf32>
      %parallel_loop3A_1057 = arith.mulf %parallel_loop3A_1048, %parallel_loop3A_1056 : vector<16xf32>
      %parallel_loop3A_1058 = arith.constant 5.000000e-01 : f32
      %parallel_loop3A_1059 = vector.broadcast %parallel_loop3A_1058 : f32 to vector<16xf32>
      %parallel_loop3A_1060 = arith.mulf %parallel_loop3A_1059, %parallel_loop3A_1040 : vector<16xf32>
      %parallel_loop3A_1061 = arith.mulf %parallel_loop3A_1060, %parallel_loop3A_1057 : vector<16xf32>
      %parallel_loop3A_1062 = arith.mulf %parallel_loop3A_1061, %parallel_loop3A_1057 : vector<16xf32>
      %parallel_loop3A_1063 = arith.constant 1.500000e+00 : f32
      %parallel_loop3A_1064 = vector.broadcast %parallel_loop3A_1063 : f32 to vector<16xf32>
      %parallel_loop3A_1065 = arith.subf %parallel_loop3A_1064, %parallel_loop3A_1062 : vector<16xf32>
      %parallel_loop3A_1066 = arith.mulf %parallel_loop3A_1057, %parallel_loop3A_1065 : vector<16xf32>
      %parallel_loop3A_1067 = arith.constant 5.000000e-01 : f32
      %parallel_loop3A_1068 = vector.broadcast %parallel_loop3A_1067 : f32 to vector<16xf32>
      %parallel_loop3A_1069 = arith.mulf %parallel_loop3A_1068, %parallel_loop3A_1040 : vector<16xf32>
      %parallel_loop3A_1070 = arith.mulf %parallel_loop3A_1069, %parallel_loop3A_1066 : vector<16xf32>
      %parallel_loop3A_1071 = arith.mulf %parallel_loop3A_1070, %parallel_loop3A_1066 : vector<16xf32>
      %parallel_loop3A_1072 = arith.constant 1.500000e+00 : f32
      %parallel_loop3A_1073 = vector.broadcast %parallel_loop3A_1072 : f32 to vector<16xf32>
      %parallel_loop3A_1074 = arith.subf %parallel_loop3A_1073, %parallel_loop3A_1071 : vector<16xf32>
      %parallel_loop3A_1075 = arith.mulf %parallel_loop3A_1066, %parallel_loop3A_1074 : vector<16xf32>
      %parallel_loop3A_1076 = arith.constant 9.99999995E+11 : f32
      %parallel_loop3A_1077 = vector.broadcast %parallel_loop3A_1076 : f32 to vector<16xf32>
      %parallel_loop3A_1078 = arith.minimumf %parallel_loop3A_1075, %parallel_loop3A_1077 : vector<16xf32>
      %parallel_loop3A_1079 = arith.constant 1.000000e-30 : f32
      %parallel_loop3A_1080 = vector.broadcast %parallel_loop3A_1079 : f32 to vector<16xf32>
      %parallel_loop3A_1081 = arith.maximumf %parallel_loop3A_1035, %parallel_loop3A_1080 : vector<16xf32>
      %parallel_loop3A_1082 = tpu.bitcast %parallel_loop3A_1081 : vector<16xf32> -> vector<16xi32>
      %parallel_loop3A_1083 = arith.constant 1 : i32
      %parallel_loop3A_1084 = vector.broadcast %parallel_loop3A_1083 : i32 to vector<16xi32>
      %parallel_loop3A_1085 = arith.shrsi %parallel_loop3A_1082, %parallel_loop3A_1084 : vector<16xi32>
      %parallel_loop3A_1086 = arith.constant 1597463007 : i32
      %parallel_loop3A_1087 = vector.broadcast %parallel_loop3A_1086 : i32 to vector<16xi32>
      %parallel_loop3A_1088 = arith.subi %parallel_loop3A_1087, %parallel_loop3A_1085 : vector<16xi32>
      %parallel_loop3A_1089 = tpu.bitcast %parallel_loop3A_1088 : vector<16xi32> -> vector<16xf32>
      %parallel_loop3A_1090 = arith.constant 5.000000e-01 : f32
      %parallel_loop3A_1091 = vector.broadcast %parallel_loop3A_1090 : f32 to vector<16xf32>
      %parallel_loop3A_1092 = arith.mulf %parallel_loop3A_1091, %parallel_loop3A_1081 : vector<16xf32>
      %parallel_loop3A_1093 = arith.mulf %parallel_loop3A_1092, %parallel_loop3A_1089 : vector<16xf32>
      %parallel_loop3A_1094 = arith.mulf %parallel_loop3A_1093, %parallel_loop3A_1089 : vector<16xf32>
      %parallel_loop3A_1095 = arith.constant 1.500000e+00 : f32
      %parallel_loop3A_1096 = vector.broadcast %parallel_loop3A_1095 : f32 to vector<16xf32>
      %parallel_loop3A_1097 = arith.subf %parallel_loop3A_1096, %parallel_loop3A_1094 : vector<16xf32>
      %parallel_loop3A_1098 = arith.mulf %parallel_loop3A_1089, %parallel_loop3A_1097 : vector<16xf32>
      %parallel_loop3A_1099 = arith.constant 5.000000e-01 : f32
      %parallel_loop3A_1100 = vector.broadcast %parallel_loop3A_1099 : f32 to vector<16xf32>
      %parallel_loop3A_1101 = arith.mulf %parallel_loop3A_1100, %parallel_loop3A_1081 : vector<16xf32>
      %parallel_loop3A_1102 = arith.mulf %parallel_loop3A_1101, %parallel_loop3A_1098 : vector<16xf32>
      %parallel_loop3A_1103 = arith.mulf %parallel_loop3A_1102, %parallel_loop3A_1098 : vector<16xf32>
      %parallel_loop3A_1104 = arith.constant 1.500000e+00 : f32
      %parallel_loop3A_1105 = vector.broadcast %parallel_loop3A_1104 : f32 to vector<16xf32>
      %parallel_loop3A_1106 = arith.subf %parallel_loop3A_1105, %parallel_loop3A_1103 : vector<16xf32>
      %parallel_loop3A_1107 = arith.mulf %parallel_loop3A_1098, %parallel_loop3A_1106 : vector<16xf32>
      %parallel_loop3A_1108 = arith.constant 5.000000e-01 : f32
      %parallel_loop3A_1109 = vector.broadcast %parallel_loop3A_1108 : f32 to vector<16xf32>
      %parallel_loop3A_1110 = arith.mulf %parallel_loop3A_1109, %parallel_loop3A_1081 : vector<16xf32>
      %parallel_loop3A_1111 = arith.mulf %parallel_loop3A_1110, %parallel_loop3A_1107 : vector<16xf32>
      %parallel_loop3A_1112 = arith.mulf %parallel_loop3A_1111, %parallel_loop3A_1107 : vector<16xf32>
      %parallel_loop3A_1113 = arith.constant 1.500000e+00 : f32
      %parallel_loop3A_1114 = vector.broadcast %parallel_loop3A_1113 : f32 to vector<16xf32>
      %parallel_loop3A_1115 = arith.subf %parallel_loop3A_1114, %parallel_loop3A_1112 : vector<16xf32>
      %parallel_loop3A_1116 = arith.mulf %parallel_loop3A_1107, %parallel_loop3A_1115 : vector<16xf32>
      %parallel_loop3A_1117 = arith.constant 9.99999995E+11 : f32
      %parallel_loop3A_1118 = vector.broadcast %parallel_loop3A_1117 : f32 to vector<16xf32>
      %parallel_loop3A_1119 = arith.minimumf %parallel_loop3A_1116, %parallel_loop3A_1118 : vector<16xf32>
      %parallel_loop3A_1120 = arith.mulf %parallel_loop3A_1033, %parallel_loop3A_1078 : vector<16xf32>
      %parallel_loop3A_1121 = arith.mulf %parallel_loop3A_1120, %parallel_loop3A_1078 : vector<16xf32>
      %parallel_loop3A_1122 = arith.mulf %parallel_loop3A_1035, %parallel_loop3A_1119 : vector<16xf32>
      %parallel_loop3A_1123 = arith.mulf %parallel_loop3A_1122, %parallel_loop3A_1119 : vector<16xf32>
      %parallel_loop3A_1124 = arith.addf %parallel_loop3A_1121, %parallel_loop3A_1123 : vector<16xf32>
      %parallel_loop3A_1125 = arith.constant 2.000000e+00 : f32
      %parallel_loop3A_1126 = vector.broadcast %parallel_loop3A_1125 : f32 to vector<16xf32>
      %parallel_loop3A_1127 = arith.mulf %parallel_loop3A_1126, %parallel_loop3A_1037 : vector<16xf32>
      %parallel_loop3A_1128 = arith.mulf %parallel_loop3A_1127, %parallel_loop3A_1078 : vector<16xf32>
      %parallel_loop3A_1129 = arith.mulf %parallel_loop3A_1128, %parallel_loop3A_1119 : vector<16xf32>
      %parallel_loop3A_1130 = arith.subf %parallel_loop3A_1124, %parallel_loop3A_1129 : vector<16xf32>
      %parallel_loop3A_1131 = arith.addi %add3A_35, %parallel_loop3A_54 : i32
      %parallel_loop3A_1132 = vector.broadcast %parallel_loop3A_1131 : i32 to vector<16xi32>
      %parallel_loop3A_1133 = arith.addi %parallel_loop3A_1132, %iota3A : vector<16xi32>
      %parallel_loop3A_1134 = arith.constant 1024 : i32
      %parallel_loop3A_1135 = arith.constant 0 : i32
      %parallel_loop3A_1136 = arith.cmpi eq, %parallel_loop3A_1134, %parallel_loop3A_1135 : i32
      %parallel_loop3A_1137 = arith.constant 1 : i32
      %parallel_loop3A_1138 = arith.select %parallel_loop3A_1136, %parallel_loop3A_1137, %parallel_loop3A_1134 : i32
      %parallel_loop3A_1139 = vector.broadcast %parallel_loop3A_1138 : i32 to vector<16xi32>
      %parallel_loop3A_1140 = arith.remsi %parallel_loop3A_1133, %parallel_loop3A_1139 : vector<16xi32>
      %parallel_loop3A_1141 = arith.constant 0 : i32
      %parallel_loop3A_1142 = vector.broadcast %parallel_loop3A_1141 : i32 to vector<16xi32>
      %parallel_loop3A_1143 = arith.cmpi ne, %parallel_loop3A_1140, %parallel_loop3A_1142 : vector<16xi32>
      %parallel_loop3A_1144 = arith.constant 0 : i32
      %parallel_loop3A_1145 = vector.broadcast %parallel_loop3A_1144 : i32 to vector<16xi32>
      %parallel_loop3A_1146 = arith.cmpi slt, %parallel_loop3A_1140, %parallel_loop3A_1145 : vector<16xi32>
      %parallel_loop3A_1147 = arith.constant 0 : i32
      %parallel_loop3A_1148 = arith.cmpi slt, %parallel_loop3A_1138, %parallel_loop3A_1147 : i32
      %parallel_loop3A_1149 = vector.broadcast %parallel_loop3A_1148 : i1 to vector<16xi1>
      %parallel_loop3A_1150 = vector.broadcast %parallel_loop3A_1149 : vector<16xi1> to vector<16xi1>
      %parallel_loop3A_1151 = arith.xori %parallel_loop3A_1146, %parallel_loop3A_1150 : vector<16xi1>
      %parallel_loop3A_1152 = arith.andi %parallel_loop3A_1151, %parallel_loop3A_1143 : vector<16xi1>
      %parallel_loop3A_1153 = vector.broadcast %parallel_loop3A_1138 : i32 to vector<16xi32>
      %parallel_loop3A_1154 = arith.addi %parallel_loop3A_1140, %parallel_loop3A_1153 : vector<16xi32>
      %parallel_loop3A_1155 = arith.select %parallel_loop3A_1152, %parallel_loop3A_1154, %parallel_loop3A_1140 : vector<16xi1>, vector<16xi32>
      %parallel_loop3A_1156 = arith.constant 0 : i32
      %parallel_loop3A_1157 = vector.broadcast %parallel_loop3A_1156 : i32 to vector<16xi32>
      %parallel_loop3A_1158 = arith.cmpi ne, %parallel_loop3A_1155, %parallel_loop3A_1157 : vector<16xi32>
      %parallel_loop3A_1159 = arith.constant 0.000000e+00 : f32
      %parallel_loop3A_1160 = vector.broadcast %parallel_loop3A_1159 : f32 to vector<16xf32>
      %parallel_loop3A_1161 = arith.select %parallel_loop3A_1158, %parallel_loop3A_1130, %parallel_loop3A_1160 : vector<16xi1>, vector<16xf32>
      %parallel_loop3A_1162 = arith.addf %parallel_loop3A_52, %parallel_loop3A_1161 : vector<16xf32>
      scf.yield %parallel_loop3A_1162 : vector<16xf32>
    } {sc.loop_unroll_factor = 1 : i64, sc.parallel_access}
    %swap3A = arith.constant 0 : i32
    %swap3A_48 = arith.index_cast %swap3A : i32 to index
    %swap3A_49 = arith.constant 0 : index
    %swap3A_50 = tpu.vector_load %arg5[%swap3A_48, %swap3A_49] {strides = array<i32>} : memref<1x16xf32, #tpu.memory_space<vmem>>, vector<16xf32>,
    tpu.vector_store %arg5[%swap3A_48, %swap3A_49], %parallel_loop3A_47 {strides = array<i32>} : memref<1x16xf32, #tpu.memory_space<vmem>>, vector<16xf32>,
    "tpu.region"() ({
      %run_scoped3A = tpu.sem_alloc : memref<!tpu.dma_semaphore, #tpu.memory_space<semaphore_mem>>
      %dma_start3A = arith.constant 0 : i32
      %dma_start3A_51 = arith.constant 0 : i32
      %dma_start3A_52 = tpu.memref_slice %arg3[%add3A, %dma_start3A, %dma_start3A_51] : memref<32x1x16xf32, #tpu.memory_space<hbm>> -> memref<1x1x16xf32, #tpu.memory_space<hbm>>
      %dma_start3A_53 = tpu.memref_squeeze %dma_start3A_52 : memref<1x1x16xf32, #tpu.memory_space<hbm>> -> memref<1x16xf32, #tpu.memory_space<hbm>>
      %dma_start3A_54 = arith.constant 0 : i32
      %dma_start3A_55 = arith.constant 0 : i32
      %dma_start3A_56 = tpu.memref_slice %arg3[%add3A, %dma_start3A_54, %dma_start3A_55] : memref<32x1x16xf32, #tpu.memory_space<hbm>> -> memref<1x1x16xf32, #tpu.memory_space<hbm>>
      %dma_start3A_57 = tpu.memref_squeeze %dma_start3A_56 : memref<1x1x16xf32, #tpu.memory_space<hbm>> -> memref<1x16xf32, #tpu.memory_space<hbm>>
      tpu.enqueue_dma source(%arg5 : memref<1x16xf32, #tpu.memory_space<vmem>>) target(%dma_start3A_57 : memref<1x16xf32, #tpu.memory_space<hbm>>) target_semaphore(%run_scoped3A : memref<!tpu.dma_semaphore, #tpu.memory_space<semaphore_mem>>)
      %dma_wait3A = arith.constant 0 : i32
      %dma_wait3A_58 = arith.constant 0 : i32
      %dma_wait3A_59 = tpu.memref_slice %arg3[%add3A, %dma_wait3A, %dma_wait3A_58] : memref<32x1x16xf32, #tpu.memory_space<hbm>> -> memref<1x1x16xf32, #tpu.memory_space<hbm>>
      %dma_wait3A_60 = tpu.memref_squeeze %dma_wait3A_59 : memref<1x1x16xf32, #tpu.memory_space<hbm>> -> memref<1x16xf32, #tpu.memory_space<hbm>>
      %dma_wait3A_61 = arith.constant 0 : i32
      %dma_wait3A_62 = arith.constant 0 : i32
      %dma_wait3A_63 = tpu.memref_slice %arg3[%add3A, %dma_wait3A_61, %dma_wait3A_62] : memref<32x1x16xf32, #tpu.memory_space<hbm>> -> memref<1x1x16xf32, #tpu.memory_space<hbm>>
      %dma_wait3A_64 = tpu.memref_squeeze %dma_wait3A_63 : memref<1x1x16xf32, #tpu.memory_space<hbm>> -> memref<1x16xf32, #tpu.memory_space<hbm>>
      tpu.wait_dma2 semaphore(%run_scoped3A : memref<!tpu.dma_semaphore, #tpu.memory_space<semaphore_mem>>) src(%arg5 : memref<1x16xf32, #tpu.memory_space<vmem>>) dst(%dma_wait3A_64 : memref<1x16xf32, #tpu.memory_space<hbm>>)
      tpu.yield
    }) : () -> ()
    return
  }
}

module attributes {stable_mosaic.version = 14 : i64} {
  func.func @_vq_block(%arg0: i32, %arg1: memref<2048x64xf32, #tpu.memory_space<vmem>>, %arg2: memref<1024x64xf32, #tpu.memory_space<vmem>>, %arg3: memref<2048x1024xf32, #tpu.memory_space<vmem>>, %arg4: memref<1x1xf32, #tpu.memory_space<vmem>>) attributes {dimension_semantics = [#tpu.dimension_semantics<arbitrary>], iteration_bounds = array<i64: 8>, scalar_prefetch = 0 : i64, scratch_operands = 0 : i64, tpu.core_type = #tpu.core_type<tc>, window_params = [{transform_indices = @transform_0, window_bounds = array<i64: 2048, 64>}, {pipeline_mode = #tpu.pipeline_mode<synchronous>, transform_indices = @transform_1, window_bounds = array<i64: 1024, 64>}, {transform_indices = @transform_2, window_bounds = array<i64: 2048, 1024>}, {pipeline_mode = #tpu.pipeline_mode<synchronous>, transform_indices = @transform_3, window_bounds = array<i64: 1, 1>}]} {
    %get3A = arith.constant 0 : index
    %get3A_0 = arith.constant 0 : index
    %get3A_1 = vector.load %arg1[%get3A, %get3A_0] : memref<2048x64xf32, #tpu.memory_space<vmem>>, vector<2048x64xf32>
    %get3A_2 = arith.constant 0 : index
    %get3A_3 = arith.constant 0 : index
    %get3A_4 = vector.load %arg2[%get3A_2, %get3A_3] : memref<1024x64xf32, #tpu.memory_space<vmem>>, vector<1024x64xf32>
    %mul3A = arith.mulf %get3A_1, %get3A_1 : vector<2048x64xf32>
    %broadcast_in_dim3A = arith.constant 1.000000e+00 : f32
    %broadcast_in_dim3A_5 = vector.broadcast %broadcast_in_dim3A : f32 to vector<1x64xf32>
    %dot_general3A = arith.constant dense<0.000000e+00> : vector<2048x1xf32>
    %dot_general3A_6 = tpu.matmul %mul3A, %broadcast_in_dim3A_5, %dot_general3A {dimension_numbers = #tpu.dot_dimension_numbers<[1], [1], [0], [0], [0, 0, 1, 0], [], []>, transpose_lhs_hint = false} : vector<2048x64xf32>, vector<1x64xf32>, vector<2048x1xf32> -> vector<2048x1xf32>
    %sqrt3A = math.sqrt %dot_general3A_6 : vector<2048x1xf32>
    %max3A = arith.constant 9.99999996E-13 : f32
    %max3A_7 = vector.broadcast %max3A : f32 to vector<2048x1xf32>
    %max3A_8 = arith.maximumf %sqrt3A, %max3A_7 : vector<2048x1xf32>
    %div3A = arith.constant 1.000000e+00 : f32
    %div3A_9 = vector.broadcast %div3A : f32 to vector<2048x1xf32>
    %div3A_10 = arith.divf %div3A_9, %max3A_8 : vector<2048x1xf32>
    %mul3A_11 = vector.broadcast %div3A_10 : vector<2048x1xf32> to vector<2048x64xf32>
    %mul3A_12 = arith.mulf %get3A_1, %mul3A_11 : vector<2048x64xf32>
    %mul3A_13 = arith.mulf %dot_general3A_6, %div3A_10 : vector<2048x1xf32>
    %mul3A_14 = arith.mulf %mul3A_13, %div3A_10 : vector<2048x1xf32>
    %mul3A_15 = arith.mulf %get3A_4, %get3A_4 : vector<1024x64xf32>
    %broadcast_in_dim3A_16 = arith.constant 1.000000e+00 : f32
    %broadcast_in_dim3A_17 = vector.broadcast %broadcast_in_dim3A_16 : f32 to vector<1x64xf32>
    %dot_general3A_18 = arith.constant dense<0.000000e+00> : vector<1024x1xf32>
    %dot_general3A_19 = tpu.matmul %mul3A_15, %broadcast_in_dim3A_17, %dot_general3A_18 {dimension_numbers = #tpu.dot_dimension_numbers<[1], [1], [0], [0], [0, 0, 1, 0], [], []>, transpose_lhs_hint = false} : vector<1024x64xf32>, vector<1x64xf32>, vector<1024x1xf32> -> vector<1024x1xf32>
    %add3A = arith.addf %get3A_4, %get3A_4 : vector<1024x64xf32>
    %concatenate3A = tpu.concatenate %add3A, %dot_general3A_19 in 1 : vector<1024x64xf32>, vector<1024x1xf32> -> vector<1024x65xf32>
    %broadcast_in_dim3A_20 = arith.constant -1.000000e+00 : f32
    %broadcast_in_dim3A_21 = vector.broadcast %broadcast_in_dim3A_20 : f32 to vector<2048x1xf32>
    %concatenate3A_22 = tpu.concatenate %mul3A_12, %broadcast_in_dim3A_21 in 1 : vector<2048x64xf32>, vector<2048x1xf32> -> vector<2048x65xf32>
    %dot_general3A_23 = arith.constant dense<0.000000e+00> : vector<2048x1024xf32>
    %dot_general3A_24 = tpu.matmul %concatenate3A_22, %concatenate3A, %dot_general3A_23 {dimension_numbers = #tpu.dot_dimension_numbers<[1], [1], [0], [0], [0, 0, 1, 0], [], []>, transpose_lhs_hint = false} : vector<2048x65xf32>, vector<1024x65xf32>, vector<2048x1024xf32> -> vector<2048x1024xf32>
    %reduce_max3A = arith.constant dense<0xFF800000> : vector<2048xf32>
    %reduce_max3A_25 = vector.multi_reduction <maximumf>, %dot_general3A_24, %reduce_max3A [1] : vector<2048x1024xf32> to vector<2048xf32>
    %broadcast_in_dim3A_26 = vector.shape_cast %reduce_max3A_25 : vector<2048xf32> to vector<2048x1xf32>
    %exp3A = math.exp %dot_general3A_24 : vector<2048x1024xf32>
    %broadcast_in_dim3A_27 = arith.constant 1.000000e+00 : f32
    %broadcast_in_dim3A_28 = vector.broadcast %broadcast_in_dim3A_27 : f32 to vector<1x1024xf32>
    %dot_general3A_29 = arith.constant dense<0.000000e+00> : vector<2048x1xf32>
    %dot_general3A_30 = tpu.matmul %exp3A, %broadcast_in_dim3A_28, %dot_general3A_29 {dimension_numbers = #tpu.dot_dimension_numbers<[1], [1], [0], [0], [0, 0, 1, 0], [], []>, transpose_lhs_hint = false} : vector<2048x1024xf32>, vector<1x1024xf32>, vector<2048x1xf32> -> vector<2048x1xf32>
    %log3A = math.log %dot_general3A_30 : vector<2048x1xf32>
    %sub3A = vector.broadcast %log3A : vector<2048x1xf32> to vector<2048x1024xf32>
    %sub3A_31 = arith.subf %dot_general3A_24, %sub3A : vector<2048x1024xf32>
    %swap3A = arith.constant 0 : index
    %swap3A_32 = arith.constant 0 : index
    %swap3A_33 = vector.load %arg3[%swap3A, %swap3A_32] : memref<2048x1024xf32, #tpu.memory_space<vmem>>, vector<2048x1024xf32>
    tpu.vector_store %arg3[%swap3A, %swap3A_32], %sub3A_31 {strides = array<i32>} : memref<2048x1024xf32, #tpu.memory_space<vmem>>, vector<2048x1024xf32>,
    %sub3A_34 = arith.subf %mul3A_14, %broadcast_in_dim3A_26 : vector<2048x1xf32>
    %reduce_sum3A = vector.shape_cast %sub3A_34 : vector<2048x1xf32> to vector<1x2048x1xf32>
    %reduce_sum3A_35 = arith.constant dense<0.000000e+00> : vector<1xf32>
    %reduce_sum3A_36 = vector.multi_reduction <add>, %reduce_sum3A, %reduce_sum3A_35 [1, 2] : vector<1x2048x1xf32> to vector<1xf32>
    %reduce_sum3A_37 = vector.shape_cast %reduce_sum3A_36 : vector<1xf32> to vector<1x1x1xf32>
    %reduce_sum3A_38 = vector.extract %reduce_sum3A_37[0, 0, 0] : f32 from vector<1x1x1xf32>
    %eq3A = arith.constant 0 : i32
    %eq3A_39 = arith.cmpi eq, %arg0, %eq3A : i32
    %convert_element_type3A = arith.extui %eq3A_39 : i1 to i32
    %cond3A = arith.constant 0 : i32
    %cond3A_40 = arith.cmpi ne, %convert_element_type3A, %cond3A : i32
    scf.if %cond3A_40 {
      %broadcast_in_dim3A_49 = arith.constant 0.000000e+00 : f32
      %broadcast_in_dim3A_50 = vector.broadcast %broadcast_in_dim3A_49 : f32 to vector<1x1xf32>
      %swap3A_51 = arith.constant 0 : index
      %swap3A_52 = arith.constant 0 : index
      %swap3A_53 = vector.load %arg4[%swap3A_51, %swap3A_52] : memref<1x1xf32, #tpu.memory_space<vmem>>, vector<1x1xf32>
      tpu.vector_store %arg4[%swap3A_51, %swap3A_52], %broadcast_in_dim3A_50 {strides = array<i32>} : memref<1x1xf32, #tpu.memory_space<vmem>>, vector<1x1xf32>,
    } else {
    }
    %get3A_41 = arith.constant 0 : index
    %get3A_42 = arith.constant 0 : index
    %get3A_43 = vector.load %arg4[%get3A_41, %get3A_42] : memref<1x1xf32, #tpu.memory_space<vmem>>, vector<1x1xf32>
    %add3A_44 = vector.broadcast %reduce_sum3A_38 : f32 to vector<1x1xf32>
    %add3A_45 = arith.addf %get3A_43, %add3A_44 : vector<1x1xf32>
    %swap3A_46 = arith.constant 0 : index
    %swap3A_47 = arith.constant 0 : index
    %swap3A_48 = vector.load %arg4[%swap3A_46, %swap3A_47] : memref<1x1xf32, #tpu.memory_space<vmem>>, vector<1x1xf32>
    tpu.vector_store %arg4[%swap3A_46, %swap3A_47], %add3A_45 {strides = array<i32>} : memref<1x1xf32, #tpu.memory_space<vmem>>, vector<1x1xf32>,
    return
  }
  func.func @transform_0(%arg0: i32) -> (i32, i32) {
    %c0_i32 = arith.constant 0 : i32
    %c0_i32_0 = arith.constant 0 : i32
    return %arg0, %c0_i32 : i32, i32
  }
  func.func @transform_1(%arg0: i32) -> (i32, i32) {
    %c0_i32 = arith.constant 0 : i32
    %c0_i32_0 = arith.constant 0 : i32
    %c0_i32_1 = arith.constant 0 : i32
    return %c0_i32, %c0_i32_0 : i32, i32
  }
  func.func @transform_2(%arg0: i32) -> (i32, i32) {
    %c0_i32 = arith.constant 0 : i32
    %c0_i32_0 = arith.constant 0 : i32
    return %arg0, %c0_i32 : i32, i32
  }
  func.func @transform_3(%arg0: i32) -> (i32, i32) {
    %c0_i32 = arith.constant 0 : i32
    %c0_i32_0 = arith.constant 0 : i32
    %c0_i32_1 = arith.constant 0 : i32
    return %c0_i32, %c0_i32_0 : i32, i32
  }
}

</mosaic_0001>

<sc_bundles>
// kernel: kernel.4.cloned.1.call-start
scs
__scs_entry_jumppad:
0x0: {  	(pc) =	sbr.rel $0x88, $3  }
0x1: {  	(tag) =	ssettag $0x0;
	lr =	simm.s32 $0x1  }
0x2: {  	[smem:$0x3F9F] =	sst lr;
	_ =	strace $0xD0000000  }
0x3: {  	_ = 	snop  }
0x4: {  	_ = 	snop  }
0x5: {  	_ = 	snop  }
0x6: {  	_ = 	snop  }
0x7: {  	_ = 	snop  }
__scs_overlays_trampoline_lowered:
0x8: {  	[smem:$0x3FAE] =	sst s0  }
0x9: {  	[smem:$0x3FAF] =	sst s1  }
0xa: {  	[smem:$0x3FB0] =	sst s2  }
0xb: {  	[smem:$0x3FB1] =	sst s3  }
0xc: {  	[smem:$0x3FB2] =	sst s4  }
0xd: {  	[smem:$0x3FB3] =	sst s5  }
0xe: {  	[smem:$0x3FB4] =	sst s6  }
0xf: {  	[smem:$0x3FB5] =	sst s7  }
0x10: {  	[smem:$0x3FB6] =	sst s8  }
0x11: {  	[smem:$0x3FB7] =	sst s9;
	s0 =	simm.s32 @!p0 $0x0  }
0x12: {  	s1 =	sld [smem:$0x3F9D];
	s0 =	simm.s32 @p0 $0x1  }
0x13: {  	[smem:$0x3FB8] =	sst s0;
	s0 =	simm.s32 @!p1 $0x0  }
0x14: {  	s2 =	sld [smem:$0x3F9C];
	s0 =	simm.s32 @p1 $0x1  }
0x15: {  	[smem:$0x3FB9] =	sst s0;
	s0 =	simm.s32 @!p2 $0x0  }
0x16: {  	s3 =	sld [smem:$0x3FDB];
	s0 =	simm.s32 @p2 $0x1  }
0x17: {  	s4 =	simm.s32 $0x1BF5;
	[smem:$0x3FBB] =	sst s0  }
0x18: {  	s0 =	sld [smem:$0x3F9E];
	_ =	swait.ge [sflag:s4], $0x0  }
0x19: {  	s7 =	sld [smem:$0x3F9F]  }
0x1a: {  	s8 =	sadd.s32 $0xFFFFE003, lr  }
0x1b: {  	s9 =	sadd.s32 $0xFFFFFEF7, lr;
	s5 =	simm.s32 $0xFFFFFFFF;
	p2 =	slt.u32 s8, $0xFFFFF086  }
0x1c: {  	p1 =	slt.u32 s9, $0xF7A;
	s5 =	simm.s32 @!p2 $0x0  }
0x1d: {  	s5 =	simm.s32 @p1 $0x1;
	p0 =	seq.s32 s7, s2  }
0x1e: {  	s7 =	smul.u32 @!p0 $0xF7A, s2;
	p2 =	seq.s32 @!p0 s5, $0x0  }
0x1f: {  	s9 =	smul.u32 $0xF7A, s1;
	s8 =	simm.s32 @!p0 $0x1BF5;
	p2 =	por !p2, p0  }
0x20: {  	[sflag:s8] =	ssyncset.s32 @!p0 $0xFFFFF086;
	s6 =	sadd.s32 @!p0 s3, s7;
	s7 =	simm.s32 @!p0 $0x108  }
0x21: {  	s3 =	sadd.s32 s3, s9;
	s6 =	sadd.s32 @!p0 $0x88, s6;
	s7 =	simm.s32 @p2 $0x1082  }
0x22: {  	[simem:s7], [sflag:s8] =	dma.local @!p0 [hbm:s6], $0xF7A  }
0x23: {  	s9 =	sor.u32 $0xD0000000, s2;
	s6 =	simm.s32 $0x108;
	_ =	swait.ge @!p0 [sflag:s8], $0x0  }
0x24: {  	s3 =	sadd.s32 $0x88, s3;
	s6 =	simm.s32 @!p1 $0x1082;
	[sflag:s4] =	ssyncset.s32 $0xFFFFF086  }
0x25: {  	[simem:s6], [sflag:s4] =	dma.local [hbm:s3], $0xF7A  }
0x26: {  	[smem:$0x3F9F] =	sst s1;
	(tag) =	ssettag s2;
	_ =	strace s9  }
0x27: {  	s1 =	sld [smem:$0x3FAF]  }
0x28: {  	s2 =	sld [smem:$0x3FB0]  }
0x29: {  	s4 =	sld [smem:$0x3FB2]  }
0x2a: {  	p0 =	seq.s32 s5, $0x0;
	s5 =	sld [smem:$0x3FB3]  }
0x2b: {  	s6 =	sld [smem:$0x3FB4]  }
0x2c: {  	s7 =	sld [smem:$0x3FB5]  }
0x2d: {  	s3 =	simm.s32 $0x108;
	s8 =	sld [smem:$0x3FB6]  }
0x2e: {  	s3 =	simm.s32 @!p0 $0x1082;
	s9 =	sld [smem:$0x3FB7]  }
0x2f: {  	lr =	sadd.s32 s0, s3;
	s0 =	sld [smem:$0x3FAE]  }
0x30: {  	s3 =	sld [smem:$0x3FB1]  }
0x31: {  	[smem:$0x3FBA] =	sst s10  }
0x32: {  	s10 =	sld [smem:$0x3FB8];
	_ =	sdelay $0x3  }
0x33: {  	p0 =	seq.s32 s10, $0x1;
	s10 =	sld [smem:$0x3FBA];
	_ =	sdelay $0x3  }
0x34: {  	[smem:$0x3FBA] =	sst s10  }
0x35: {  	s10 =	sld [smem:$0x3FB9];
	_ =	sdelay $0x3  }
0x36: {  	p1 =	seq.s32 s10, $0x1;
	s10 =	sld [smem:$0x3FBA];
	_ =	sdelay $0x3  }
0x37: {  	[smem:$0x3FBA] =	sst s10  }
0x38: {  	s10 =	sld [smem:$0x3FBB]  }
0x39: {  	_ = 	snop;
	(pc) =	sbr.ind lr, $3  }
0x3a: {  	_ = 	snop  }
0x3b: {  	_ = 	snop  }
0x3c: {  	p2 =	seq.s32 s10, $0x1;
	s10 =	sld [smem:$0x3FBA]  }
0x3d: {  	_ =	shalt  }
0x3e: {  	_ =	shalt  }
0x3f: {  	_ =	shalt  }
0x40: {  	_ =	shalt  }
0x41: {  	_ =	shalt  }
0x42: {  	_ =	shalt  }
0x43: {  	_ =	shalt  }
0x44: {  	_ =	shalt  }
0x45: {  	_ =	shalt  }
0x46: {  	_ =	shalt  }
0x47: {  	_ =	shalt  }
0x48: {  	_ =	shalt  }
0x49: {  	_ =	shalt  }
0x4a: {  	_ =	shalt  }
0x4b: {  	_ =	shalt  }
0x4c: {  	_ =	shalt  }
0x4d: {  	_ =	shalt  }
0x4e: {  	_ =	shalt  }
0x4f: {  	_ =	shalt  }
0x50: {  	_ =	shalt  }
0x51: {  	_ =	shalt  }
0x52: {  	_ =	shalt  }
0x53: {  	_ =	shalt  }
0x54: {  	_ =	shalt  }
0x55: {  	_ =	shalt  }
0x56: {  	_ =	shalt  }
0x57: {  	_ =	shalt  }
0x58: {  	_ =	shalt  }
0x59: {  	_ =	shalt  }
0x5a: {  	_ =	shalt  }
0x5b: {  	_ =	shalt  }
0x5c: {  	_ =	shalt  }
0x5d: {  	_ =	shalt  }
0x5e: {  	_ =	shalt  }
0x5f: {  	_ =	shalt  }
0x60: {  	_ =	shalt  }
0x61: {  	_ =	shalt  }
0x62: {  	_ =	shalt  }
0x63: {  	_ =	shalt  }
0x64: {  	_ =	shalt  }
0x65: {  	_ =	shalt  }
0x66: {  	_ =	shalt  }
0x67: {  	_ =	shalt  }
0x68: {  	_ =	shalt  }
0x69: {  	_ =	shalt  }
0x6a: {  	_ =	shalt  }
0x6b: {  	_ =	shalt  }
0x6c: {  	_ =	shalt  }
0x6d: {  	_ =	shalt  }
0x6e: {  	_ =	shalt  }
0x6f: {  	_ =	shalt  }
0x70: {  	_ =	shalt  }
0x71: {  	_ =	shalt  }
0x72: {  	_ =	shalt  }
0x73: {  	_ =	shalt  }
0x74: {  	_ =	shalt  }
0x75: {  	_ =	shalt  }
0x76: {  	_ =	shalt  }
0x77: {  	_ =	shalt  }
0x78: {  	_ =	shalt  }
0x79: {  	_ =	shalt  }
0x7a: {  	_ =	shalt  }
0x7b: {  	_ =	shalt  }
0x7c: {  	_ =	shalt  }
0x7d: {  	_ =	shalt  }
0x7e: {  	_ =	shalt  }
0x7f: {  	_ =	shalt  }
0x80: {  	_ =	shalt  }
0x81: {  	_ =	shalt  }
0x82: {  	_ =	shalt  }
0x83: {  	_ =	shalt  }
0x84: {  	_ =	shalt  }
0x85: {  	_ =	shalt  }
0x86: {  	_ =	shalt  }
0x87: {  	_ =	shalt  }
.Lfunc_end0:
.L_simem_size_0:
called_computation_lowered:
.L_overlay_start_0:
0x88: {  	s2 =	sld [smem:$0x3FD9]  }
0x89: {  	s3 =	sld [smem:$0x3FFE];
	_ =	sdelay $0x1  }
0x8a: {  	s1 =	srdreg.scid  }
0x8b: {  	s0 =	sand.u32 $0x1, s1  }
0x8c: {  	s16 =	sshll.u32 s0, $0xA;
	s2 =	sadd.s32 s3, s2  }
0x8d: {  	s2 =	sadd.s32 s2, s16  }
0x8e: {  	[smem:$0x3FC6] =	sst s2  }
0x8f: {  	_ = 	snop  }
0x90: {  	(tm) =	ssettm $0x1  }
0x91: {  	s17 =	sld [smem:$0x3FFB];
	_ =	sdelay $0x3  }
0x92: {  	_ =	strace s17  }
0x93: {  	s2 =	sld [smem:$0x3FFC];
	_ =	sdelay $0x3  }
0x94: {  	_ =	strace s2  }
0x95: {  	s2 =	sld [smem:$0x3FFD];
	_ =	sdelay $0x3  }
0x96: {  	_ =	strace s2  }
0x97: {  	_ =	strace $0x8FFFFFFF  }
0x98: {  	s18 =	sld [smem:$0x3FDB];
	_ =	sdelay $0x1  }
0x99: {  	s19 =	simm.s32 $_scs_section_size  }
0x9a: {  	s4 =	simm.s32 $_size__tile_overlayer_lowered;
	s5 =	simm.s32 $_tile_overlayer_lowered  }
0x9b: {  	s22 =	simm.s32 $0x1BFF;
	s21 =	sshll.u32 s5, $0x1;
	s2 =	sadd.s32 s19, s18  }
0x9c: {  	s6 =	simm.s32 $0x0;
	s20 =	sshll.u32 s4, $0x1;
	s4 =	sadd.s32 s21, s2  }
0x9d: {  	[timem:s6], [sflag:s22] =	dma.local [hbm:s4], s20  }
0x9e: {  	_ =	swait.ge [sflag:s22], s20  }
0x9f: {  	s3 =	ssub.s32 $0x0, s20;
	[sflag:s22] =	ssyncset.done $0x0  }
0xa0: {  	[sflag:s22] =	ssyncadd.s32 s3;
	_ =	sdelay $0x1  }
0xa1: {  	s23 =	simm.s32 $0x1B8B  }
0xa2: {  	_ =	swait.ge [sflag:s23], $0x1  }
0xa3: {  	[sflag:s23] =	ssyncset.done $0x0  }
0xa4: {  	s25 =	simm.s32 $0x1B8E;
	s24 =	sld [smem:$0x3FFE];
	[sflag:s23] =	ssyncadd.s32 $0xFFFFFFFF  }
0xa5: {  	s26 =	simm.s32 $execute0_lowered;
	[smem:$0x3FD2] =	sst s25  }
0xa6: {  	s4 =	sshll.u32 s26, $0x1;
	_ =	strace $0x80000046;
	[dreg:$0x1] =	wrdreg $0xFFFFFFFF  }
0xa7: {  	s28 =	simm.s32 $_size_execute0_lowered;
	s2 =	sadd.s32 s2, s4;
	[dreg:$0x0] =	wrdreg $0x0  }
0xa8: {  	s4 =	sshll.u32 s28, $0x1;
	[dreg:$0x2] =	wrdreg s2  }
0xa9: {  	[dreg:$0x3] =	wrdreg s4  }
0xaa: {  	[dreg:$0x4] =	wrdreg $0xC0  }
0xab: {  	_ =	task [dreg:s6], $0x5FFFF  }
0xac: {  	[dreg:$0x1] =	wrdreg $0xFFFFFFFF  }
0xad: {  	[dreg:$0x0] =	wrdreg $0x60  }
0xae: {  	[dreg:$0x2] =	wrdreg s24  }
0xaf: {  	[dreg:$0x3] =	wrdreg $0x9  }
0xb0: {  	_ =	task.clear_ibuf [dreg:s6], $0x4FFFF;
	_ =	strace $0x90000046  }
0xb1: {  	s29 =	simm.s32 $0x9;
	_ =	strace $0x80000048  }
0xb2: {  	_ =	swait.ge [sflag:s29], $0x1  }
0xb3: {  	[sflag:s29] =	ssyncadd.s32 $0xFFFFFFFF  }
0xb4: {  	_ =	strace $0x90000048  }
0xb5: {  	_ =	sfence  }
0xb6: {  	s30 =	sld [smem:$0x0];
	_ =	sdelay $0x2  }
0xb7: {  	s31 =	sshll.u32 s1, $0xD;
	s1 =	sshrl.u32 s1, $0x2  }
0xb8: {  	s3 =	sand.u32 $0x4000, s31;
	s1 =	sadd.s32 s1, s30  }
0xb9: {  	s0 =	sor.u32 s3, s0;
	s1 =	sshll.u32 s1, $0x11  }
0xba: {  	s0 =	sor.u32 s1, s0  }
0xbb: {  	s0 =	sadd.s32 $0x8F2B, s0  }
0xbc: {  	[sflag:s0] =	ssyncadd.remote.s32 $0x1  }
0xbd: {  	_ =	sfence.sel $0xFFFF  }
0xbe: {  	[dreg:$0x0] =	wrdreg $0xFFFFFFFF;
	(pc) =	sbr.abs _section_cstart, $3  }
0xbf: {  	[dreg:$0x1] =	wrdreg $0xFFFFFFFF  }
0xc0: {  	_ =	task.clear_ibuf [dreg:s6], $0x2FFFF;
	_ =	strace $0x9FFFFFFF  }
0xc1: {  	(tm) =	ssettm $0x7FFFFFFF  }
tec
execute0_lowered:
.L_overlay_start_1:
0x0: {  	(tag) =	ssettag $0x1  }
0x1: {  	s3 =	rddreg [dreg:$0x0]  }
0x2: {  	s0 =	rddreg [dreg:$0x1];
	s2 =	simm.s32 $0x0;
	s4 =	srdreg.scid  }
0x3: {  	s1 =	stileid.u32;
	s8 =	simm.s32 $0xFFFFFFFF;
	[smem:$0x7FF] =	sst s2  }
0x4: {  	s9 =	sand.u32 $0x1, s4;
	s25 =	sshll.u32 s1, $0x1;
	s6 =	sadd.s32 $0x600, s3  }
0x5: {  	s29 =	sshll.u32 s1, $0xE;
	s31 =	sshll.u32 s1, $0xA;
	_ =	strace $0x80000047  }
0x6: {  	s4 =	sor.u32 s9, s25;
	p0 =	seq.s32 s9, $0x1;
	s26 =	ssub.s32 $0x2, s9  }
0x7: {  	s12 =	sshll.u32 s9, $0x9;
	s5 =	sshll.u32 s4, $0x4;
	p1 =	seq.s32 s4, $0x0  }
0x8: {  	s4 =	simm.s32 $0x1;
	s28 =	sshrl.u32 s26, $0x1;
	p1 =	por !p1, !p0  }
0x9: {  	s7 =	sadd.s32 s5, s3;
	s10 =	ssub.s32 s26, s28;
	p1 =	por !p1, !p1  }
0xa: {  	s3 =	simm.s32 $0x1;
	s4 =	simm.s32 @!p1 $0x0;
	s8 =	simm.s32 @!p1 $0x0  }
0xb: {  	vm0 =	vmmov $0x1;
	vm1 =	vmmov $0x3;
	vm2 =	vmmov $0x7;
	p1 =	seq.s32 @!p0 s9, $0x0;
	s9 =	simm.s32 $0x10400;
	s4 =	ssub.s32 s1, s4  }
0xc: {  	vm3 =	vmmov $0xf;
	vm4 =	vmmov $0x1f;
	vm5 =	vmmov $0x3f;
	s8 =	sshll.u32 s8, $0xA;
	p1 =	por p0, !p1;
	s11 =	sshll.u32 s4, $0xE  }
0xd: {  	vm6 =	vmmov $0x7f;
	vm7 =	vmmov $0xff;
	vm8 =	vmmov $0x1ff;
	s4 =	sadd.s32 s6, s29;
	s8 =	sadd.s32 s8, s31;
	s30 =	sand.u32 $0x1FFFC000, s11  }
0xe: {  	vm9 =	vmmov $0x3ff;
	vm10 =	vmmov $0x7ff;
	vm11 =	vmmov $0xfff;
	s8 =	sor.u32 s12, s8;
	s5 =	sadd.s32 s30, s6;
	s6 =	sadd.s32 $0x40600, s7  }
0xf: {  	vm12 =	vmmov $0x1fff;
	vm13 =	vmmov $0x3fff;
	vm14 =	vmmov $0x7fff;
	s7 =	smax.u32 s10, $0x1;
	s10 =	simm.s32 $0x0;
	s5 =	sadd.s32 $0x1F80, s5  }
.LBB2_1:
0x10: {  	s11 =	simm.s32 @!p0 $0x0;
	s12 =	simm.s32 @!p0 $0x400  }
0x11: {  	[tilespmem:s12], [sflag:$0x1] =	stream.linear.gather @!p0 [hbm4b:s4+s11], $0x10000, $0x38;
	[tilespmem:$0x10480] =	vst v63  }
0x12: {  	s11 =	simm.s32 @!p0 $0x1  }
0x13: {  	_ =	swait.ge @!p0 [sflag:s11], $0x10000  }
0x14: {  	[sflag:s11] =	ssyncset.done @!p0 $0x0  }
0x15: {  	[sflag:s11] =	ssyncadd.s32 @!p0 $0xFFFF0000  }
0x16: {  	[tilespmem:s2], [sflag:$0x1] =	stream.linear.gather @p1 [hbm4b:s5+s2], $0x10400, $0x38;
	[tilespmem:$0x10480] =	vst v63  }
0x17: {  	_ =	swait.ge @p1 [sflag:s3], $0x10400  }
0x18: {  	[sflag:s3] =	ssyncset.done @p1 $0x0  }
0x19: {  	s11 =	simm.s32 $0x600;
	[sflag:s3] =	ssyncadd.s32 @p1 $0xFFFEFC00  }
0x1a: {  	v56 =	vld [tilespmem:s11+$0x5B0]  }
0x1b: {  	v60 =	vld [tilespmem:s11+$0x5A0]  }
0x1c: {  	v2 =	vld [tilespmem:s11+$0x530]  }
0x1d: {  	v3 =	vld [tilespmem:s11+$0x4B0]  }
0x1e: {  	v15 =	vld [tilespmem:s11+$0x580]  }
0x1f: {  	v5 =	vld [tilespmem:s11+$0x430]  }
0x20: {  	v8 =	vld [tilespmem:s11+$0x520]  }
0x21: {  	v62 =	vld [tilespmem:s11+$0x4A0]  }
0x22: {  	v13 =	vld [tilespmem:s11+$0x3B0]  }
0x23: {  	v12 =	vld [tilespmem:s11+$0x330]  }
0x24: {  	v6 =	vld [tilespmem:s11+$0x420]  }
0x25: {  	v10 =	vld [tilespmem:s11+$0x500]  }
0x26: {  	v58 =	vld [tilespmem:s11+$0x510]  }
0x27: {  	v4 =	vld [tilespmem:s11+$0x2B0]  }
0x28: {  	v17 =	vld [tilespmem:s11+$0x3A0]  }
0x29: {  	v20 =	vld [tilespmem:s11+$0x480]  }
0x2a: {  	v26 =	vld [tilespmem:s11+$0x490]  }
0x2b: {  	v9 =	vld [tilespmem:s11+$0x230]  }
0x2c: {  	v21 =	vld [tilespmem:s11+$0x320]  }
0x2d: {  	v18 =	vld [tilespmem:s11+$0x400]  }
0x2e: {  	v59 =	vld [tilespmem:s11+$0x410]  }
0x2f: {  	v24 =	vld [tilespmem:s11+$0x1B0]  }
0x30: {  	v19 =	vld [tilespmem:s11+$0x2A0]  }
0x31: {  	v22 =	vld [tilespmem:s11+$0x380]  }
0x32: {  	v23 =	vld [tilespmem:s11+$0x390]  }
0x33: {  	v1 =	vld [tilespmem:s11+$0x130]  }
0x34: {  	v16 =	vld [tilespmem:s11+$0x220]  }
0x35: {  	v28 =	vld [tilespmem:s11+$0x300]  }
0x36: {  	v29 =	vld [tilespmem:s11+$0x310]  }
0x37: {  	v0 =	vld [tilespmem:s11+$0xB0]  }
0x38: {  	v33 =	vld [tilespmem:s11+$0x1A0]  }
0x39: {  	v25 =	vld [tilespmem:s11+$0x280]  }
0x3a: {  	v31 =	vld [tilespmem:s11+$0x290]  }
0x3b: {  	v14 =	vld [tilespmem:s11+$0x120];
	v11 =	vmul.f32 v10, v20;
	[tilespmem:$0x1FEE0] =	vst v26  }
0x3c: {  	v26 =	vmul.f32 v58, v26;
	v27 =	vmul.f32 v8, v62;
	v36 =	vld [tilespmem:s11+$0x200]  }
0x3d: {  	v30 =	vmul.f32 v59, v23;
	v32 =	vmul.f32 v2, v3;
	v37 =	vld [tilespmem:s11+$0x210]  }
0x3e: {  	v34 =	vmul.f32 v6, v17;
	v35 =	vmul.f32 v22, v28;
	v40 =	vld [tilespmem:s11+$0x180]  }
0x3f: {  	v61 =	vmul.f32 v17, v21;
	v42 =	vld [tilespmem:s11+$0x190];
	v11 =	vadd.f32 v26, v11;
	v26 =	vmul.f32 v18, v22  }
0x40: {  	v38 =	vmul.f32 v28, v25;
	v39 =	vmul.f32 v29, v31;
	v44 =	vld [tilespmem:s11+$0x100]  }
0x41: {  	v41 =	vmul.f32 v13, v12;
	v45 =	vld [tilespmem:s11+$0x110];
	v27 =	vadd.f32 v27, v11;
	v26 =	vadd.f32 v30, v26  }
0x42: {  	v47 =	vmul.f32 v12, v4;
	v49 =	vld [tilespmem:s11+$0x80];
	v30 =	vmul.f32 v23, v29  }
0x43: {  	v43 =	vld [tilespmem:s11+$0x0];
	v32 =	vadd.f32 v32, v27;
	v27 =	vmul.f32 v5, v13;
	v26 =	vadd.f32 v34, v26  }
0x44: {  	v46 =	vmul.f32 v16, v33;
	v39 =	vadd.f32 v39, v38;
	v38 =	vld [tilespmem:s11+$0x10];
	v30 =	vadd.f32 v30, v35  }
0x45: {  	v35 =	vld [tilespmem:s11+$0x90];
	v48 =	vadd.f32 v27, v26;
	v26 =	vmul.f32 v36, v40;
	v27 =	vmul.f32 v37, v42  }
0x46: {  	v63 =	vmul.f32 v9, v24;
	v11 =	vld [tilespmem:s11+$0xA0];
	v34 =	vadd.f32 v61, v30;
	v30 =	vmul.f32 v21, v19  }
0x47: {  	v50 =	vmul.f32 v40, v44;
	v51 =	vmul.f32 v42, v45;
	v27 =	vadd.f32 v27, v26;
	v26 =	vld [tilespmem:s11+$0xFFFFFF80]  }
0x48: {  	v57 =	vmul.f32 v33, v14;
	v7 =	vmul.f32 v56, v2;
	v39 =	vadd.f32 v30, v39;
	v30 =	vld [tilespmem:s11+$0xFFFFFF90]  }
0x49: {  	v2 =	vmul.f32 v2, v2;
	v53 =	vmul.f32 v44, v49;
	v50 =	vadd.f32 v51, v50  }
0x4a: {  	v41 =	vadd.f32 v41, v34;
	v54 =	vmul.f32 v45, v35;
	v27 =	vadd.f32 v46, v27  }
0x4b: {  	v34 =	vadd.f32 v57, v50;
	v52 =	vadd.f32 v47, v39;
	v39 =	vmul.f32 v14, v11  }
0x4c: {  	v53 =	vadd.f32 v54, v53;
	v55 =	vadd.f32 v63, v27;
	v27 =	vmul.f32 v24, v1  }
0x4d: {  	v61 =	vmul.f32 v43, v26;
	v63 =	vmul.f32 v38, v30  }
0x4e: {  	v51 =	vld [tilespmem:s11+$0xFFFFFFA0];
	v57 =	vadd.f32 v27, v34;
	v27 =	vmul.f32 v1, v0;
	v34 =	vadd.f32 v39, v53  }
0x4f: {  	v17 =	vmul.f32 v17, v17;
	v46 =	vld [tilespmem:s11+$0x20];
	v61 =	vadd.f32 v63, v61;
	v63 =	vmul.f32 v15, v10  }
0x50: {  	v50 =	vld [tilespmem:s11+$0xFFFFFFB0];
	v10 =	vmul.f32 v10, v10;
	v54 =	vadd.f32 v27, v34;
	v27 =	vmul.f32 v58, v58  }
0x51: {  	v13 =	vmul.f32 v13, v13;
	(xrf2) =	vadd.scan.msk.f32 $0xffff, v32;
	v47 =	vld [tilespmem:s11+$0x30];
	[tilespmem:$0x1FEF0] =	vst v56;
	v53 =	vmul.f32 v60, v8  }
0x52: {  	[tilespmem:$0x1FF30] =	vst v58;
	v8 =	vmul.f32 v8, v8;
	v58 =	vmul.f32 v20, v18;
	v10 =	vadd.f32 v27, v10  }
0x53: {  	(xrf2) =	vadd.scan.msk.f32 $0xffff, v48;
	[tilespmem:$0x1FF00] =	vst v7;
	v7 =	vmovc v60;
	v18 =	vmul.f32 v18, v18;
	v27 =	vmul.f32 v59, v59  }
0x54: {  	[tilespmem:$0x1FF50] =	vst v59;
	v60 =	vmul.f32 v46, v51;
	v59 =	vmul.f32 v6, v6;
	v8 =	vadd.f32 v8, v10  }
0x55: {  	[tilespmem:$0x1FF60] =	vst v6;
	v10 =	vmul.f32 v22, v22;
	v22 =	vmul.f32 v23, v23;
	v18 =	vadd.f32 v27, v18  }
0x56: {  	(xrf2) =	vadd.scan.msk.f32 $0xffff, v41;
	v23 =	vmul.f32 v5, v5;
	v2 =	vadd.f32 v2, v8;
	v8 =	vmul.f32 v25, v25  }
0x57: {  	[tilespmem:$0x1FF10] =	vst v53;
	v18 =	vadd.f32 v59, v18;
	v10 =	vadd.f32 v22, v10;
	v22 =	vmul.f32 v31, v31  }
0x58: {  	(xrf2) =	vadd.scan.msk.f32 $0xffff, v52;
	v56 =	vmul.f32 v47, v50;
	v34 =	vmul.f32 v25, v36;
	[tilespmem:$0x1FF20] =	vst v63  }
0x59: {  	v25 =	vmovc v3;
	v3 =	vmul.f32 v4, v9;
	v18 =	vadd.f32 v23, v18;
	v8 =	vadd.f32 v22, v8  }
0x5a: {  	[tilespmem:$0x1FF40] =	vst v58;
	v10 =	vadd.f32 v17, v10;
	v22 =	vmul.f32 v36, v36;
	v23 =	vmul.f32 v37, v37  }
0x5b: {  	v39 =	vadd.f32 v60, v61;
	v60 =	vld [tilespmem:s11+$0xFFFFFF30];
	[tilespmem:$0x1FF80] =	vst v5;
	v27 =	vmul.f32 v19, v16;
	v19 =	vmul.f32 v19, v19  }
0x5c: {  	[tilespmem:$0x1FF70] =	vst v3;
	v10 =	vadd.f32 v13, v10;
	v13 =	vmul.f32 v16, v16;
	v16 =	vadd.f32 v23, v22  }
0x5d: {  	(xrf2) =	vadd.scan.msk.f32 $0xffff, v55;
	v1 =	vmul.f32 v1, v1;
	v53 =	vadd.f32 v56, v39;
	v17 =	vld [tilespmem:s11+$0xFFFFFF20]  }
0x5e: {  	(xrf2) =	vadd.scan.msk.f32 $0xffff, v57;
	v4 =	vmul.f32 v4, v4;
	v58 =	vld [tilespmem:s11+$0xFFFFFDB0];
	v8 =	vadd.f32 v19, v8;
	v3 =	vadd.f32 v13, v16  }
0x5f: {  	(xrf2) =	vadd.scan.msk.f32 $0xffff, v54;
	v56 =	vld [tilespmem:s11+$0xFFFFFEB0];
	v19 =	vmul.f32 v44, v44;
	v22 =	vmul.f32 v45, v45  }
0x60: {  	v32 =	vmul.f32 v0, v47;
	(xrf2) =	vadd.scan.msk.f32 $0xffff, v53;
	v61 =	vld [tilespmem:s11+$0xFFFFFEA0];
	v4 =	vadd.f32 v4, v8;
	v8 =	vmul.f32 v9, v9  }
0x61: {  	v41 =	vmul.f32 v11, v46;
	(xrf2) =	vadd.scan.msk.f32 $0xffff, v2;
	v59 =	vld [tilespmem:s11+$0xFFFFFE30];
	v13 =	vmul.f32 v14, v14;
	v14 =	vadd.f32 v22, v19  }
0x62: {  	v2 =	vld [tilespmem:s11+$0xFFFFFDA0];
	(xrf2) =	vadd.scan.msk.f32 $0xffff, v18;
	v18 =	vmul.f32 v35, v35;
	v16 =	vmul.f32 v49, v49;
	v8 =	vadd.f32 v8, v3;
	v3, _, _ =	vpop (xrf2)  }
0x63: {  	v11 =	vmul.f32 v11, v11;
	v19 =	vld [tilespmem:s11+$0xFFFFFF00];
	(xrf2) =	vadd.scan.msk.f32 $0xffff, v10;
	v10 =	vadd.f32 v13, v14;
	[tilespmem:$0x1FF90] =	vst v3;
	v5, _, _ =	vpop (xrf2)  }
0x64: {  	v0 =	vmul.f32 v0, v0;
	(xrf2) =	vadd.scan.msk.f32 $0xffff, v4;
	v4 =	vadd.f32 v18, v16;
	v3 =	vld [tilespmem:s11+$0xFFFFFF10];
	[tilespmem:$0x1FFA0] =	vst v5;
	v5, _, _ =	vpop (xrf2)  }
0x65: {  	v10 =	vadd.f32 v1, v10;
	v14 =	vld [tilespmem:s11+$0xFFFFFD80];
	[tilespmem:$0x1FFB0] =	vst v5;
	v1, _, _ =	vpop (xrf2)  }
0x66: {  	v39 =	vmul.f32 v31, v37;
	v16 =	vld [tilespmem:s11+$0xFFFFFE80];
	[tilespmem:$0x1FFC0] =	vst v1;
	v1 =	vadd.f32 v11, v4  }
0x67: {  	v13 =	vmul.f32 v26, v26;
	v18 =	vmul.f32 v30, v30;
	v5, _, _ =	vpop (xrf2)  }
0x68: {  	v48 =	vmul.f32 v50, v60;
	v44 =	vmul.f32 v49, v43;
	v4 =	vld [tilespmem:s11+$0xFFFFFD90];
	[tilespmem:$0x1FFD0] =	vst v5;
	v37 =	vadd.f32 v0, v1;
	v0, _, _ =	vpop (xrf2)  }
0x69: {  	v22 =	vmul.f32 v50, v50;
	v54 =	vmul.f32 v51, v17;
	v31 =	vadd.f32 v18, v13;
	v13 =	vld [tilespmem:s11+$0xFFFFFE20];
	[tilespmem:$0x1FFE0] =	vst v0  }
0x6a: {  	v57 =	vmul.f32 v17, v61;
	v11 =	vmul.f32 v51, v51;
	v18 =	vld [tilespmem:s11+$0xFFFFFE90]  }
0x6b: {  	v1 =	vmul.f32 v19, v19;
	v50 =	vmul.f32 v3, v3  }
0x6c: {  	v17 =	vmul.f32 v17, v17;
	v63 =	vmul.f32 v26, v19;
	v26 =	vmovc v62;
	v31 =	vadd.f32 v11, v31  }
0x6d: {  	v0 =	vmul.f32 v30, v3;
	v30, _, _ =	vpop (xrf2);
	v62 =	vadd.f32 v50, v1;
	v1 =	vmul.f32 v19, v16  }
0x6e: {  	(xrf2) =	vadd.scan.msk.f32 $0xffff, v8;
	v36, _, _ =	vpop (xrf2);
	v8 =	vadd.f32 v22, v31;
	v19 =	vmul.f32 v14, v14;
	v22 =	vmul.f32 v4, v4  }
0x6f: {  	(xrf2) =	vadd.scan.msk.f32 $0xffff, v10;
	v45, _, _ =	vpop (xrf2);
	v10 =	vadd.f32 v17, v62;
	v17 =	vmul.f32 v3, v18;
	v3 =	vimm.f32 $0.0e+00  }
0x70: {  	v52 =	vmul.f32 v60, v56;
	v50, _, _ =	vpop (xrf2);
	(xrf2) =	vadd.scan.msk.f32 $0xffff, v37;
	v22 =	vadd.f32 v22, v19;
	v19 =	vld [tilespmem:s11+$0xFFFFFE00];
	[tilespmem:$0x1FFF0] =	vst v3  }
0x71: {  	v53 =	vmul.f32 v59, v58;
	v49 =	vmul.f32 v56, v59;
	v51, _, _ =	vpop (xrf2);
	(xrf2) =	vadd.scan.msk.f32 $0xffff, v8;
	v8 =	vld [tilespmem:s11+$0xFFFFFE10]  }
0x72: {  	v11 =	vmul.f32 v60, v60;
	v31 =	vmov v25;
	v60 =	vmul.f32 v13, v2  }
0x73: {  	s13 =	simm.s32 $0x10;
	s12 =	simm.s32 $0x0;
	v2 =	vmul.f32 v2, v2;
	v62 =	vmul.f32 v61, v13;
	v37 =	vmov v26;
	v55, _, _ =	vpop (xrf2)  }
.LBB2_2:
0x74: {  	_ =	sdelay $0x1  }
0x75: {  	v23 =	vmul.f32 v19, v19;
	v3 =	vmul.f32 v8, v8  }
0x76: {  	v5 =	vmul.f32 v58, v58;
	v10 =	vadd.f32 v11, v10;
	v2 =	vadd.f32 v2, v22  }
0x77: {  	v13 =	vmul.f32 v13, v13;
	v3 =	vadd.f32 v3, v23  }
0x78: {  	v11, _, _ =	vpop (xrf2);
	(xrf2) =	vadd.scan.msk.f32 $0xffff, v10;
	v2 =	vadd.f32 v5, v2;
	v5 =	vmul.f32 v16, v16;
	v10 =	vmul.f32 v18, v18  }
0x79: {  	v14 =	vmul.f32 v19, v14;
	v23 =	vmul.f32 v59, v59;
	v3 =	vadd.f32 v13, v3  }
0x7a: {  	v5 =	vadd.f32 v10, v5;
	v13 =	vmul.f32 v16, v19;
	v16 =	vmul.f32 v61, v61  }
0x7b: {  	v22, _, _ =	vpop (xrf2);
	(xrf2) =	vadd.scan.msk.f32 $0xffff, v2;
	v10 =	vmul.f32 v38, v38;
	v2 =	vadd.f32 v23, v3;
	v3 =	vmul.f32 v43, v43  }
0x7c: {  	v4 =	vmul.f32 v8, v4;
	v19 =	vmul.f32 v56, v56;
	v5 =	vadd.f32 v16, v5  }
0x7d: {  	v8 =	vmul.f32 v18, v8;
	v16 =	vmul.f32 v46, v46;
	v3 =	vadd.f32 v10, v3  }
0x7e: {  	v18, _, _ =	vpop (xrf2);
	(xrf2) =	vadd.scan.msk.f32 $0xffff, v2;
	v2 =	vadd.f32 v19, v5;
	v5 =	vmul.f32 v40, v40;
	v19 =	vmul.f32 v42, v42  }
0x7f: {  	v6 =	vld [tilespmem:$0x1FEE0];
	v61 =	vmul.f32 v47, v47;
	v3 =	vadd.f32 v16, v3  }
0x80: {  	v58 =	vld [tilespmem:s11+$0x590];
	v16 =	vmul.f32 v20, v20;
	v20 =	vmul.f32 v33, v33;
	v5 =	vadd.f32 v19, v5  }
0x81: {  	v24 =	vmul.f32 v24, v24;
	v19 =	vmul.f32 v28, v28  }
0x82: {  	v23, _, _ =	vpop (xrf2);
	(xrf2) =	vadd.scan.msk.f32 $0xffff, v2;
	v2 =	vadd.f32 v61, v3;
	v3 =	vmul.f32 v29, v29;
	v5 =	vadd.f32 v20, v5  }
0x83: {  	v15 =	vmul.f32 v15, v15;
	v1 =	vadd.f32 v17, v1;
	v17 =	vmul.f32 v21, v21  }
0x84: {  	v28, _, _ =	vpop (xrf2);
	v3 =	vadd.f32 v3, v19;
	(xrf2) =	vadd.scan.msk.f32 $0xffff, v2;
	v2 =	vadd.f32 v24, v5;
	v5 =	vmul.f32 v6, v6  }
0x85: {  	v9 =	vmul.f32 v12, v12;
	v4 =	vadd.f32 v4, v14;
	v10 =	vmul.f32 v58, v58  }
0x86: {  	v14 =	vmul.f32 v37, v26;
	v3 =	vadd.f32 v17, v3;
	v5 =	vadd.f32 v5, v16  }
0x87: {  	v8 =	vadd.f32 v8, v13;
	v10 =	vadd.f32 v10, v15  }
0x88: {  	v15 =	vmul.f32 v31, v25;
	v13, _, _ =	vpop (xrf2);
	(xrf2) =	vadd.scan.msk.f32 $0xffff, v2;
	v2 =	vadd.f32 v9, v3;
	v5 =	vadd.f32 v14, v5  }
0x89: {  	v0 =	vadd.f32 v0, v63  }
0x8a: {  	v12, _, _ =	vpop (xrf2);
	(xrf2) =	vadd.scan.msk.f32 $0xffff, v2;
	v2 =	vadd.f32 v15, v5;
	v5 =	vld [tilespmem:$0x1FEF0]  }
0x8b: {  	v0 =	vadd.f32 v54, v0  }
0x8c: {  	v1 =	vadd.f32 v57, v1  }
0x8d: {  	v11 =	vbroadcast v11, $0xF;
	v0 =	vadd.f32 v48, v0;
	v3 =	vmul.f32 v7, v7  }
0x8e: {  	v1 =	vadd.f32 v52, v1;
	v4 =	vadd.f32 v60, v4;
	v12 =	vbroadcast v12, $0xF;
	v14, _, _ =	vpop (xrf2);
	(xrf2) =	vadd.scan.msk.f32 $0xffff, v2  }
0x8f: {  	v3 =	vadd.f32 v3, v10;
	v14 =	vbroadcast v14, $0xF;
	v5 =	vmul.f32 v5, v5  }
0x90: {  	v4 =	vadd.f32 v53, v4;
	v13 =	vbroadcast v13, $0xF;
	v15 =	vbroadcast v28, $0xF  }
0x91: {  	v16, _, _ =	vpop (xrf2);
	v2 =	vadd.f32 v5, v3;
	v3 =	vsel vm0, v12, v14;
	v5 =	vbroadcast v23, $0xF  }
0x92: {  	v12 =	vsel vm0, v13, v12;
	v13 =	vbroadcast v16, $0xF;
	v3 =	vsel vm1, v3, v15  }
0x93: {  	v12 =	vsel vm1, v12, v14;
	v14 =	vbroadcast v18, $0xF;
	v3 =	vsel vm2, v3, v5  }
0x94: {  	v16, _, _ =	vpop (xrf2);
	v12 =	vsel vm2, v12, v15;
	v15 =	vbroadcast v22, $0xF;
	v3 =	vsel vm3, v3, v13  }
0x95: {  	(xrf2) =	vadd.scan.msk.f32 $0xffff, v2;
	v2 =	vsel vm3, v12, v5;
	v5 =	vbroadcast v16, $0xF;
	v3 =	vsel vm4, v3, v14  }
0x96: {  	v10 =	vmul.f32 v35, v38;
	v2 =	vsel vm4, v2, v13;
	v3 =	vsel vm5, v3, v15  }
0x97: {  	v12 =	vbroadcast v55, $0xF;
	v13, _, _ =	vpop (xrf2);
	(xrf2) =	vadd.scan.msk.f32 $0xffff, v0;
	v2 =	vsel vm5, v2, v14;
	v3 =	vsel vm6, v3, v5  }
0x98: {  	v0 =	vsel vm6, v2, v15;
	v2 =	vsel vm7, v3, v11;
	v3 =	vbroadcast v13, $0xF;
	v13, _, _ =	vpop (xrf2);
	(xrf2) =	vadd.scan.msk.f32 $0xffff, v1  }
0x99: {  	v8 =	vadd.f32 v62, v8;
	v10 =	vadd.f32 v10, v44  }
0x9a: {  	v0 =	vsel vm7, v0, v5;
	v5 =	vbroadcast v51, $0xF;
	v2 =	vsel vm8, v2, v12  }
0x9b: {  	v0 =	vsel vm8, v0, v11;
	v11 =	vbroadcast v50, $0xF;
	v2 =	vsel vm9, v2, v3  }
0x9c: {  	v0 =	vsel vm9, v0, v12;
	v1 =	vsel vm10, v2, v5;
	v2 =	vbroadcast v13, $0xF  }
0x9d: {  	v7 =	vbroadcast v45, $0xF;
	v0 =	vsel vm10, v0, v3;
	v1 =	vsel vm11, v1, v11  }
0x9e: {  	v0 =	vsel vm11, v0, v5;
	v5 =	vadd.f32 v41, v10;
	v1 =	vsel vm12, v1, v2  }
0x9f: {  	(xrf2) =	vadd.scan.msk.f32 $0xffff, v4;
	v4 =	vadd.f32 v49, v8;
	v0 =	vsel vm12, v0, v11;
	v3, _, _ =	vpop (xrf2);
	v1 =	vsel vm13, v1, v7  }
0xa0: {  	v2 =	vsel vm13, v0, v2;
	v7 =	vld [tilespmem:$0x1FF50];
	v0 =	vsel vm14, v1, v3;
	v3 =	vadd.f32 v32, v5  }
0xa1: {  	v12 =	vld [tilespmem:$0x1FF40];
	(xrf2) =	vadd.scan.msk.f32 $0xffff, v4;
	v8, _, _ =	vpop (xrf2)  }
0xa2: {  	v13, _, _ =	vpop (xrf2);
	(xrf2) =	vadd.scan.msk.f32 $0xffff, v3;
	v3 =	vld [tilespmem:$0x1FF60];
	_ =	sdelay $0x2  }
0xa3: {  	v6 =	vmul.f32 v6, v7;
	_ =	sdelay $0x1  }
0xa4: {  	v6 =	vadd.f32 v6, v12;
	v12 =	vld [tilespmem:$0x1FF30];
	v3 =	vmul.f32 v26, v3;
	_ =	sdelay $0x1  }
0xa5: {  	v3 =	vadd.f32 v3, v6;
	v6 =	vld [tilespmem:$0x1FF20]  }
0xa6: {  	v35 =	vsel vm14, v2, v45;
	v2 =	vmax.f32 v0, $1.000000000e-30  }
0xa7: {  	v5 =	vmax.f32 v35, $1.000000000e-30;
	v4 =	vshra.s32 v2, $0x1;
	v2 =	vmul.f32 $5.000000000e-01, v2  }
0xa8: {  	v10 =	vshra.s32 v5, $0x1;
	v5 =	vmul.f32 $5.000000000e-01, v5;
	v17 =	vmul.f32 v58, v12  }
0xa9: {  	v4 =	vsub.s32 $0x5F3759DF, v4;
	v7 =	vsub.s32 $0x5F3759DF, v10  }
0xaa: {  	v10 =	vmul.f32 v4, v2;
	v11 =	vmul.f32 v7, v5;
	v6 =	vadd.f32 v17, v6;
	v17 =	vld [tilespmem:$0x1FF80]  }
0xab: {  	v16 =	vld [tilespmem:$0x1FF70];
	v1 =	vadd.f32 v39, v34  }
0xac: {  	v10 =	vmul.f32 v4, v10;
	v11 =	vmul.f32 v7, v11  }
0xad: {  	v1 =	vadd.f32 v27, v1  }
0xae: {  	v10 =	vsub.f32 $1.500000000e+00, v10;
	v11 =	vsub.f32 $1.500000000e+00, v11  }
0xaf: {  	v14, _, _ =	vpop (xrf2);
	v17 =	vmul.f32 v25, v17  }
0xb0: {  	v18 =	vadd.f32 v16, v1;
	v4 =	vmul.f32 v4, v10;
	v10 =	vmul.f32 v7, v11;
	v7, _, _ =	vpop (xrf2)  }
0xb1: {  	s11 =	sadd.s32 $0x800, s11;
	v11 =	vbroadcast v14, $0xF;
	v7 =	vbroadcast v7, $0xF;
	v3 =	vadd.f32 v17, v3  }
0xb2: {  	v63 =	vld [tilespmem:s11+$0xFFFFFF80];
	v13 =	vbroadcast v13, $0xF;
	(xrf2) =	vadd.scan.msk.f32 $0xffff, v18  }
0xb3: {  	v54 =	vld [tilespmem:s11+$0x120];
	(xrf2) =	vadd.scan.msk.f32 $0xffff, v3;
	v3 =	vsel vm0, v11, v7;
	v7 =	vbroadcast v8, $0xF  }
0xb4: {  	v57 =	vld [tilespmem:s11+$0x80];
	v3 =	vsel vm1, v3, v13  }
0xb5: {  	v3 =	vsel vm2, v3, v7;
	v7 =	vld [tilespmem:$0x1FFE0]  }
0xb6: {  	v18 =	vld [tilespmem:$0x1FF10];
	v21 =	vmul.f32 v4, v2;
	v19 =	vmul.f32 v10, v5  }
0xb7: {  	v37 =	vld [tilespmem:s11+$0x4A0];
	v8 =	vbroadcast v36, $0xF  }
0xb8: {  	v17 =	vld [tilespmem:$0x1FF00];
	v11 =	vmul.f32 v21, v4;
	v13 =	vmul.f32 v19, v10  }
0xb9: {  	v48 =	vld [tilespmem:s11+$0x280];
	v3 =	vsel vm3, v3, v8  }
0xba: {  	v8 =	vsub.f32 $1.500000000e+00, v11;
	v11 =	vsub.f32 $1.500000000e+00, v13;
	v13 =	vbroadcast v7, $0xF;
	v7 =	vld [tilespmem:$0x1FFD0]  }
0xbb: {  	v52 =	vld [tilespmem:s11+$0x200];
	v6 =	vadd.f32 v18, v6  }
0xbc: {  	v59 =	vld [tilespmem:s11+$0x5B0];
	v18 =	vmov v37  }
0xbd: {  	v56 =	vld [tilespmem:s11+$0x420];
	v17 =	vadd.f32 v17, v6  }
0xbe: {  	v60 =	vld [tilespmem:s11+$0x290]  }
0xbf: {  	[tilespmem:$0x1FEC0] =	vst v18;
	v18, _, _ =	vpop (xrf2);
	(xrf2) =	vadd.scan.msk.f32 $0xffff, v17;
	v17 =	vbroadcast v7, $0xF;
	v7 =	vld [tilespmem:$0x1FFC0]  }
0xc0: {  	v53 =	vld [tilespmem:s11+$0x210]  }
0xc1: {  	v43 =	vld [tilespmem:s11+$0x0]  }
0xc2: {  	v46 =	vld [tilespmem:s11+$0x20];
	v18 =	vbroadcast v18, $0xF  }
0xc3: {  	v40 =	vld [tilespmem:s11+$0x180]  }
0xc4: {  	v19 =	vbroadcast v30, $0xF;
	v3 =	vsel vm4, v3, v18;
	v18 =	vbroadcast v7, $0xF;
	v7 =	vld [tilespmem:$0x1FFB0]  }
0xc5: {  	v42 =	vld [tilespmem:s11+$0x190]  }
0xc6: {  	v31 =	vld [tilespmem:s11+$0x4B0];
	v3 =	vsel vm5, v3, v19;
	v4 =	vmul.f32 v8, v4;
	v8 =	vmul.f32 v11, v10;
	v10, _, _ =	vpop (xrf2)  }
0xc7: {  	v33 =	vld [tilespmem:s11+$0x1A0];
	v10 =	vbroadcast v10, $0xF;
	v3 =	vsel vm6, v3, v13  }
0xc8: {  	v20 =	vld [tilespmem:s11+$0x480];
	v3 =	vsel vm7, v3, v17  }
0xc9: {  	v3 =	vsel vm8, v3, v10;
	v10 =	vbroadcast v7, $0xF;
	v7 =	vld [tilespmem:$0x1FFA0]  }
0xca: {  	v61 =	vld [tilespmem:s11+$0x410]  }
0xcb: {  	v29 =	vld [tilespmem:s11+$0x310]  }
0xcc: {  	v24 =	vld [tilespmem:s11+$0x1B0]  }
0xcd: {  	v22 =	vld [tilespmem:s11+$0x500]  }
0xce: {  	v2 =	vmul.f32 v4, v2;
	v13 =	vbroadcast v7, $0xF;
	v7 =	vld [tilespmem:$0x1FF90]  }
0xcf: {  	v32 =	vld [tilespmem:s11+$0x520];
	v5 =	vmul.f32 v8, v5  }
0xd0: {  	v58 =	vld [tilespmem:s11+$0x510];
	v2 =	vmul.f32 v2, v4  }
0xd1: {  	v6 =	vld [tilespmem:s11+$0x490];
	v5 =	vmul.f32 v5, v8;
	v3 =	vsel vm9, v3, v18  }
0xd2: {  	v28 =	vld [tilespmem:s11+$0x300];
	v11, _, _ =	vpop (xrf2);
	v2 =	vsub.f32 $1.500000000e+00, v2;
	v3 =	vsel vm10, v3, v10  }
0xd3: {  	v44 =	vld [tilespmem:s11+$0x530];
	v16 =	vmovc v31;
	v10 =	vbroadcast v11, $0xF;
	v11 =	vbroadcast v7, $0xF;
	v7 =	vsub.f32 $1.500000000e+00, v5  }
0xd4: {  	v23 =	vld [tilespmem:s11+$0x380];
	[tilespmem:$0x1FED0] =	vst v16;
	v16 =	vmul.f32 v32, v37;
	v2 =	vmul.f32 v2, v4;
	v3 =	vsel vm11, v3, v13  }
0xd5: {  	v27 =	vld [tilespmem:s11+$0x400];
	v17 =	vmul.f32 v22, v20;
	v3 =	vsel vm12, v3, v10;
	v4 =	vmul.f32 v7, v8  }
0xd6: {  	v26 =	vld [tilespmem:s11+$0x390];
	v2 =	vmin.f32 v2, $9.999999950e+11;
	v10 =	vmul.f32 v58, v6;
	v5, _, _ =	vpop (xrf2);
	v3 =	vsel vm13, v3, v11  }
0xd7: {  	v34 =	vld [tilespmem:s11+$0x430];
	v0 =	vmul.f32 v2, v0;
	v3 =	vsel vm14, v3, v5;
	v4 =	vmin.f32 v4, $9.999999950e+11  }
0xd8: {  	v39 =	vld [tilespmem:s11+$0x3A0];
	v5 =	vadd.f32 v10, v17;
	v3 =	vadd.f32 v3, v3;
	v10 =	vmul.f32 v4, v35  }
0xd9: {  	v55 =	vld [tilespmem:s11+$0xA0];
	v1 =	vmul.f32 v44, v31;
	v14 =	vlaneseq.u32;
	v0 =	vmul.f32 v0, v2  }
0xda: {  	s14 =	sadd.s32 s12, s8;
	v41 =	vld [tilespmem:s11+$0x3B0];
	v5 =	vadd.f32 v16, v5;
	v3 =	vmul.f32 v2, v3;
	v2 =	vmul.f32 v10, v4  }
0xdb: {  	v50 =	vld [tilespmem:s11+$0x130];
	v14 =	vor.u32 s14, v14;
	v8 =	vmul.f32 v27, v23;
	v11 =	vmul.f32 v61, v26  }
0xdc: {  	v21 =	vld [tilespmem:s11+$0x320];
	v1 =	vadd.f32 v1, v5;
	v0 =	vadd.f32 v0, v2;
	v2 =	vmul.f32 v3, v4  }
0xdd: {  	v45 =	vld [tilespmem:s11+$0x2B0];
	v25 =	vmovc v34;
	v13 =	vmul.f32 v56, v39;
	v8 =	vadd.f32 v11, v8;
	v16 =	vmul.f32 v26, v29  }
0xde: {  	v12 =	vld [tilespmem:s11+$0x330];
	(xrf2) =	vadd.scan.msk.f32 $0xffff, v1;
	v1 =	vmul.f32 v28, v48;
	v0 =	vsub.f32 v0, v2;
	v2 =	vmul.f32 v29, v60  }
0xdf: {  	v30 =	vld [tilespmem:s11+$0x2A0];
	v10 =	vmul.f32 v23, v28;
	v3 =	vmul.f32 v25, v41;
	v4 =	vadd.f32 v13, v8  }
0xe0: {  	v14 =	vand.u32 $0x3FF, v14;
	v1 =	vadd.f32 v2, v1;
	v2 =	vld [tilespmem:$0x1FFF0]  }
0xe1: {  	v36 =	vld [tilespmem:s11+$0x220];
	v5 =	vmul.f32 v39, v21;
	v8 =	vadd.f32 v16, v10;
	v3 =	vadd.f32 v3, v4  }
0xe2: {  	vm15 =	veq.s32 v14, $0x0;
	v11 =	vld [tilespmem:s11+$0x100]  }
0xe3: {  	v14 =	vmul.f32 v24, v50;
	v10 =	vmul.f32 v41, v12;
	v4 =	vld [tilespmem:s11+$0x110];
	v5 =	vadd.f32 v5, v8;
	(xrf2) =	vadd.scan.msk.f32 $0xffff, v3  }
0xe4: {  	v49 =	vld [tilespmem:s11+$0x230];
	v18 =	vmul.f32 v55, v55;
	v8 =	vmul.f32 v21, v30;
	v0 =	vsel vm15, $0x0, v0  }
0xe5: {  	v35 =	vld [tilespmem:s11+$0x90];
	v16 =	vmul.f32 v53, v53;
	v3 =	vadd.f32 v10, v5;
	v2 =	vadd.f32 v0, v2  }
0xe6: {  	v9 =	vld [tilespmem:s11+$0x5A0];
	v5 =	vmul.f32 v12, v45;
	v1 =	vadd.f32 v8, v1;
	v8 =	vmul.f32 v36, v33  }
0xe7: {  	v38 =	vld [tilespmem:s11+$0x10];
	v0 =	vmul.f32 v52, v40;
	[tilespmem:$0x1FFF0] =	vst v2;
	v2 =	vmul.f32 v53, v42  }
0xe8: {  	v51 =	vld [tilespmem:s11+$0xB0];
	(xrf2) =	vadd.scan.msk.f32 $0xffff, v3;
	v3 =	vmul.f32 v40, v11;
	v10 =	vmul.f32 v42, v4  }
0xe9: {  	[tilespmem:$0x1FEE0] =	vst v6;
	v6 =	vadd.f32 v5, v1;
	v5 =	vmul.f32 v49, v24;
	v2 =	vadd.f32 v2, v0;
	v0 =	vld [tilespmem:s11+$0xFFFFFF90]  }
0xea: {  	v62 =	vld [tilespmem:s11+$0xFFFFFFA0];
	v13 =	vmul.f32 v4, v35;
	v4 =	vmul.f32 v4, v4  }
0xeb: {  	[tilespmem:$0x1FEF0] =	vst v59;
	v15 =	vld [tilespmem:s11+$0x580];
	v3 =	vadd.f32 v10, v3;
	v2 =	vadd.f32 v8, v2;
	v8 =	vmul.f32 v33, v54  }
0xec: {  	v47 =	vld [tilespmem:s11+$0x30];
	v7 =	vmov v9;
	v10 =	vmul.f32 v11, v57;
	(xrf2) =	vadd.scan.msk.f32 $0xffff, v6;
	v1, _, _ =	vpop (xrf2);
	v6 =	vmul.f32 v59, v44  }
0xed: {  	[tilespmem:$0x1FF90] =	vst v1;
	v1 =	vld [tilespmem:s11+$0xFFFFFFB0];
	v2 =	vadd.f32 v5, v2;
	v3 =	vadd.f32 v8, v3;
	v8 =	vmul.f32 v54, v55;
	v5, _, _ =	vpop (xrf2)  }
0xee: {  	v10 =	vadd.f32 v13, v10;
	v13 =	vmul.f32 v38, v0;
	[tilespmem:$0x1FFA0] =	vst v5;
	v5 =	vmul.f32 v50, v51  }
0xef: {  	(xrf2) =	vadd.scan.msk.f32 $0xffff, v2;
	v2 =	vmul.f32 v43, v63;
	v3 =	vadd.f32 v14, v3;
	v14 =	vmul.f32 v9, v32  }
0xf0: {  	[tilespmem:$0x1FF00] =	vst v6;
	v8 =	vadd.f32 v8, v10;
	v10 =	vmul.f32 v46, v62;
	v9 =	vmul.f32 v15, v22  }
0xf1: {  	v2 =	vadd.f32 v13, v2;
	(xrf2) =	vadd.scan.msk.f32 $0xffff, v3;
	v3 =	vmul.f32 v22, v22;
	v13 =	vmul.f32 v58, v58  }
0xf2: {  	[tilespmem:$0x1FF10] =	vst v14;
	v5 =	vadd.f32 v5, v8;
	v8 =	vmul.f32 v47, v1;
	v14 =	vmul.f32 v45, v49  }
0xf3: {  	[tilespmem:$0x1FF20] =	vst v9;
	v9 =	vmul.f32 v20, v27;
	v22 =	vmul.f32 v0, v0  }
0xf4: {  	v6, _, _ =	vpop (xrf2);
	v2 =	vadd.f32 v10, v2;
	v10 =	vmul.f32 v32, v32;
	(xrf2) =	vadd.scan.msk.f32 $0xffff, v5;
	v5 =	vmul.f32 v27, v27  }
0xf5: {  	[tilespmem:$0x1FF30] =	vst v58;
	v59 =	vld [tilespmem:s11+$0xFFFFFE30];
	v3 =	vadd.f32 v13, v3;
	v13 =	vmul.f32 v61, v61;
	v27 =	vmul.f32 v30, v36  }
0xf6: {  	v58 =	vld [tilespmem:s11+$0xFFFFFDB0];
	[tilespmem:$0x1FF70] =	vst v14;
	v14 =	vmul.f32 v56, v56;
	v32 =	vmul.f32 v51, v47  }
0xf7: {  	v2 =	vadd.f32 v8, v2;
	v8 =	vmul.f32 v44, v44;
	v3 =	vadd.f32 v10, v3  }
0xf8: {  	[tilespmem:$0x1FFB0] =	vst v6;
	v5 =	vadd.f32 v13, v5;
	v13 =	vmul.f32 v26, v26;
	v44 =	vmul.f32 v57, v43  }
0xf9: {  	v6, _, _ =	vpop (xrf2);
	v10 =	vld [tilespmem:s11+$0xFFFFFF30];
	(xrf2) =	vadd.scan.msk.f32 $0xffff, v2;
	v2 =	vmul.f32 v23, v23;
	v3 =	vadd.f32 v8, v3;
	v8 =	vmul.f32 v34, v25  }
0xfa: {  	v5 =	vadd.f32 v14, v5;
	v34 =	vmul.f32 v48, v52;
	v14 =	vmul.f32 v39, v39  }
0xfb: {  	[tilespmem:$0x1FFC0] =	vst v6;
	v39 =	vmul.f32 v60, v53;
	v53 =	vmul.f32 v59, v58  }
0xfc: {  	v6, _, _ =	vpop (xrf2);
	v2 =	vadd.f32 v13, v2;
	(xrf2) =	vadd.scan.msk.f32 $0xffff, v3;
	v3 =	vmul.f32 v48, v48;
	v13 =	vmul.f32 v60, v60  }
0xfd: {  	[tilespmem:$0x1FF60] =	vst v56;
	v56 =	vld [tilespmem:s11+$0xFFFFFEB0];
	v5 =	vadd.f32 v8, v5;
	v8 =	vmul.f32 v41, v41;
	v41 =	vmul.f32 v55, v46  }
0xfe: {  	v55 =	vmul.f32 v62, v62;
	v48 =	vmul.f32 v1, v10;
	v2 =	vadd.f32 v14, v2  }
0xff: {  	v23 =	vld [tilespmem:s11+$0xFFFFFF10];
	[tilespmem:$0x1FFD0] =	vst v6;
	v14 =	vmul.f32 v30, v30;
	v3 =	vadd.f32 v13, v3;
	v13 =	vmul.f32 v52, v52  }
0x100: {  	v1 =	vmul.f32 v1, v1;
	v6, _, _ =	vpop (xrf2);
	(xrf2) =	vadd.scan.msk.f32 $0xffff, v5;
	v2 =	vadd.f32 v8, v2;
	v8 =	vmul.f32 v45, v45  }
0x101: {  	v17 =	vld [tilespmem:s11+$0xFFFFFDA0];
	v3 =	vadd.f32 v14, v3;
	v14 =	vmul.f32 v36, v36;
	v13 =	vadd.f32 v16, v13  }
0x102: {  	[tilespmem:$0x1FF50] =	vst v61;
	v61 =	vld [tilespmem:s11+$0xFFFFFEA0];
	v52 =	vmul.f32 v10, v56;
	v30, _, _ =	vpop (xrf2);
	(xrf2) =	vadd.scan.msk.f32 $0xffff, v2;
	v2 =	vmul.f32 v11, v11  }
0x103: {  	v5 =	vld [tilespmem:s11+$0xFFFFFF20];
	v3 =	vadd.f32 v8, v3;
	v8 =	vmul.f32 v49, v49;
	v11 =	vadd.f32 v14, v13  }
0x104: {  	[tilespmem:$0x1FF80] =	vst v25;
	v25 =	vmul.f32 v23, v23;
	v13 =	vld [tilespmem:s11+$0xFFFFFE20];
	v14 =	vmul.f32 v54, v54;
	v2 =	vadd.f32 v4, v2  }
0x105: {  	v16 =	vmul.f32 v35, v35;
	v36, _, _ =	vpop (xrf2);
	(xrf2) =	vadd.scan.msk.f32 $0xffff, v3;
	v3 =	vld [tilespmem:s11+$0xFFFFFF00];
	v4 =	vmul.f32 v57, v57;
	v8 =	vadd.f32 v8, v11  }
0x106: {  	v0 =	vmul.f32 v0, v23;
	v11 =	vmul.f32 v50, v50;
	v2 =	vadd.f32 v14, v2;
	v14 =	vld [tilespmem:s11+$0xFFFFFD80]  }
0x107: {  	v49 =	vmul.f32 v56, v59;
	v45, _, _ =	vpop (xrf2);
	v16 =	vadd.f32 v16, v4;
	(xrf2) =	vadd.scan.msk.f32 $0xffff, v8;
	v4 =	vld [tilespmem:s11+$0xFFFFFD90];
	v8 =	vmul.f32 v63, v63  }
0x108: {  	v54 =	vmul.f32 v62, v5;
	v57 =	vmul.f32 v5, v61;
	v2 =	vadd.f32 v11, v2  }
0x109: {  	[tilespmem:$0x1FFE0] =	vst v6;
	v11 =	vmul.f32 v51, v51;
	v6 =	vadd.f32 v18, v16;
	v16 =	vld [tilespmem:s11+$0xFFFFFE80];
	v22 =	vadd.f32 v22, v8  }
0x10a: {  	p2 =	sne.s32 s13, $0x1F0;
	v5 =	vmul.f32 v5, v5;
	v50, _, _ =	vpop (xrf2);
	v18 =	vld [tilespmem:s11+$0xFFFFFE90];
	(xrf2) =	vadd.scan.msk.f32 $0xffff, v2;
	v2 =	vmul.f32 v3, v3  }
.Ltmp0:
0x10b: {  	v60 =	vmul.f32 v13, v17;
	v11 =	vadd.f32 v11, v6;
	v22 =	vadd.f32 v55, v22;
	(pc) =	sbr.rel @p2 .LBB2_2-.Ltmp0, $4  }
0x10c: {  	v19 =	vld [tilespmem:s11+$0xFFFFFE00];
	v26 =	vmul.f32 v4, v4;
	v2 =	vadd.f32 v25, v2;
	v25 =	vmul.f32 v14, v14  }
0x10d: {  	[tilespmem:$0x1FF40] =	vst v9;
	v62 =	vmul.f32 v61, v13;
	v8 =	vld [tilespmem:s11+$0xFFFFFE10];
	v63 =	vmul.f32 v63, v3;
	v6 =	vadd.f32 v1, v22  }
0x10e: {  	v51, _, _ =	vpop (xrf2);
	(xrf2) =	vadd.scan.msk.f32 $0xffff, v11;
	v11 =	vmul.f32 v10, v10;
	v1 =	vmul.f32 v3, v16;
	v22 =	vadd.f32 v26, v25;
	v26 =	vld [tilespmem:$0x1FEC0]  }
0x10f: {  	s12 =	smov.u32 s13;
	s13 =	sadd.s32 $0x10, s13;
	v55, _, _ =	vpop (xrf2);
	v10 =	vadd.f32 v5, v2;
	v2 =	vmul.f32 v17, v17;
	v25 =	vld [tilespmem:$0x1FED0];
	v17 =	vmul.f32 v23, v18;
	(xrf2) =	vadd.scan.msk.f32 $0xffff, v6  }
0x110: {  	v23 =	vmul.f32 v58, v58  }
0x111: {  	v58 =	vmul.f32 v13, v13;
	v13 =	vmul.f32 v59, v59  }
0x112: {  	v9 =	vmul.f32 v18, v18;
	v59 =	vmul.f32 v38, v38  }
0x113: {  	v0 =	vadd.f32 v0, v63;
	v63 =	vmul.f32 v20, v20;
	v3 =	vadd.f32 v11, v10  }
0x114: {  	v5 =	vmul.f32 v19, v19;
	v2 =	vadd.f32 v2, v22;
	v6 =	vmul.f32 v8, v8  }
0x115: {  	v11 =	vmul.f32 v19, v14;
	v10 =	vmul.f32 v16, v16;
	v1 =	vadd.f32 v17, v1  }
0x116: {  	v16 =	vmul.f32 v16, v19;
	v17 =	vadd.f32 v39, v34;
	v5 =	vadd.f32 v6, v5  }
0x117: {  	v2 =	vadd.f32 v23, v2;
	v10 =	vadd.f32 v9, v10;
	v23 =	vmul.f32 v61, v61  }
0x118: {  	v4 =	vmul.f32 v8, v4;
	v5 =	vadd.f32 v58, v5;
	v58 =	vmul.f32 v43, v43  }
0x119: {  	v10 =	vadd.f32 v23, v10;
	v43 =	vmul.f32 v46, v46;
	v46 =	vmul.f32 v56, v56  }
0x11a: {  	v22 =	vmul.f32 v18, v8;
	(xrf2) =	vadd.scan.msk.f32 $0xffff, v3;
	v5 =	vadd.f32 v13, v5;
	v6 =	vadd.f32 v59, v58  }
0x11b: {  	(xrf2) =	vadd.scan.msk.f32 $0xffff, v2;
	v56 =	vmul.f32 v40, v40;
	v59 =	vmul.f32 v42, v42;
	v23 =	vadd.f32 v46, v10  }
0x11c: {  	v19 =	vld [tilespmem:$0x1FEE0];
	v0 =	vadd.f32 v54, v0;
	v61 =	vmul.f32 v47, v47;
	v58 =	vadd.f32 v43, v6;
	(xrf2) =	vadd.scan.msk.f32 $0xffff, v5  }
0x11d: {  	v1 =	vadd.f32 v57, v1;
	v42 =	vmul.f32 v33, v33;
	v40 =	vadd.f32 v59, v56;
	(xrf2) =	vadd.scan.msk.f32 $0xffff, v23  }
0x11e: {  	v46 =	vmul.f32 v29, v29;
	v43 =	vmul.f32 v28, v28;
	v3 =	vadd.f32 v61, v58  }
0x11f: {  	v47 =	vmul.f32 v24, v24;
	v4 =	vadd.f32 v4, v11;
	v10 =	vld [tilespmem:s11+$0x590];
	v5 =	vadd.f32 v42, v40  }
0x120: {  	v8 =	vadd.f32 v22, v16;
	v11, _, _ =	vpop (xrf2);
	v59 =	vmul.f32 v21, v21;
	v2 =	vadd.f32 v46, v43;
	(xrf2) =	vadd.scan.msk.f32 $0xffff, v3  }
0x121: {  	v0 =	vadd.f32 v48, v0;
	v20 =	vmul.f32 v19, v19;
	v61, _, _ =	vpop (xrf2);
	v5 =	vadd.f32 v47, v5  }
0x122: {  	v12 =	vmul.f32 v12, v12;
	v1 =	vadd.f32 v52, v1;
	v43 =	vld [tilespmem:$0x1FEF0];
	v21, _, _ =	vpop (xrf2);
	v2 =	vadd.f32 v59, v2  }
0x123: {  	v24 =	vmul.f32 v37, v26;
	v4 =	vadd.f32 v60, v4;
	v22 =	vadd.f32 v20, v63;
	v23, _, _ =	vpop (xrf2);
	(xrf2) =	vadd.scan.msk.f32 $0xffff, v5  }
0x124: {  	v56 =	vmul.f32 v15, v15;
	v58 =	vmul.f32 v10, v10;
	v28, _, _ =	vpop (xrf2);
	v2 =	vadd.f32 v12, v2  }
0x125: {  	v37 =	vmul.f32 v31, v25;
	v8 =	vadd.f32 v62, v8;
	v14 =	vadd.f32 v24, v22;
	v33, _, _ =	vpop (xrf2)  }
0x126: {  	v11 =	vbroadcast v11, $0xF;
	v29 =	vmul.f32 v7, v7;
	v3 =	vadd.f32 v58, v56;
	(xrf2) =	vadd.scan.msk.f32 $0xffff, v2;
	v42, _, _ =	vpop (xrf2)  }
0x127: {  	v62 =	vbroadcast v51, $0xF;
	v14 =	vadd.f32 v37, v14;
	v46 =	vmul.f32 v43, v43;
	v47, _, _ =	vpop (xrf2)  }
0x128: {  	v3 =	vadd.f32 v29, v3;
	v2 =	vbroadcast v42, $0xF;
	v18 =	vbroadcast v47, $0xF  }
0x129: {  	v4 =	vadd.f32 v53, v4;
	v12 =	vbroadcast v28, $0xF;
	v15 =	vbroadcast v33, $0xF;
	(xrf2) =	vadd.scan.msk.f32 $0xffff, v14  }
0x12a: {  	v5 =	vbroadcast v23, $0xF;
	v3 =	vadd.f32 v46, v3;
	v48 =	vsel vm0, v2, v18;
	v52, _, _ =	vpop (xrf2)  }
0x12b: {  	v2 =	vsel vm0, v15, v2;
	v14 =	vsel vm1, v48, v12;
	v53 =	vbroadcast v52, $0xF  }
0x12c: {  	v13 =	vbroadcast v21, $0xF;
	v2 =	vsel vm1, v2, v18;
	v14 =	vsel vm2, v14, v5  }
0x12d: {  	v6 =	vbroadcast v61, $0xF;
	(xrf2) =	vadd.scan.msk.f32 $0xffff, v3;
	v2 =	vsel vm2, v2, v12;
	v56, _, _ =	vpop (xrf2);
	v54 =	vsel vm3, v14, v53  }
0x12e: {  	v2 =	vsel vm3, v2, v5;
	v3 =	vbroadcast v56, $0xF;
	v57 =	vsel vm4, v54, v13  }
0x12f: {  	v40 =	vmul.f32 v35, v38;
	v2 =	vsel vm4, v2, v53;
	v5 =	vsel vm5, v57, v6  }
0x130: {  	v58 =	vbroadcast v55, $0xF;
	v59, _, _ =	vpop (xrf2);
	v2 =	vsel vm5, v2, v13;
	v5 =	vsel vm6, v5, v3  }
0x131: {  	v60 =	vbroadcast v59, $0xF;
	v2 =	vsel vm6, v2, v6;
	v5 =	vsel vm7, v5, v11  }
0x132: {  	v63 =	vbroadcast v50, $0xF;
	v2 =	vsel vm7, v2, v3;
	v61 =	vsel vm8, v5, v58  }
0x133: {  	v14 =	vadd.f32 v40, v44;
	v7, _, _ =	vpop (xrf2);
	v2 =	vsel vm8, v2, v11;
	v3 =	vsel vm9, v61, v60  }
0x134: {  	v9 =	vbroadcast v7, $0xF;
	v2 =	vsel vm9, v2, v58;
	v3 =	vsel vm10, v3, v62  }
0x135: {  	(xrf2) =	vadd.scan.msk.f32 $0xffff, v0;
	v13 =	vbroadcast v45, $0xF;
	v2 =	vsel vm10, v2, v60;
	v3 =	vsel vm11, v3, v63  }
0x136: {  	v24 =	vld [tilespmem:$0x1FF50];
	v15 =	vadd.f32 v49, v8;
	(xrf2) =	vadd.scan.msk.f32 $0xffff, v1;
	v2 =	vsel vm11, v2, v62;
	v3 =	vsel vm12, v3, v9  }
0x137: {  	v28 =	vld [tilespmem:$0x1FF60];
	(xrf2) =	vadd.scan.msk.f32 $0xffff, v4;
	v0 =	vadd.f32 v41, v14;
	v16, _, _ =	vpop (xrf2);
	v2 =	vsel vm12, v2, v63;
	v3 =	vsel vm13, v3, v13  }
0x138: {  	v29 =	vld [tilespmem:$0x1FF40];
	v4 =	vadd.f32 v27, v17;
	(xrf2) =	vadd.scan.msk.f32 $0xffff, v15;
	v2 =	vsel vm13, v2, v9;
	v3 =	vsel vm14, v3, v16  }
0x139: {  	v0 =	vadd.f32 v32, v0;
	v9 =	vld [tilespmem:$0x1FF70];
	v2 =	vsel vm14, v2, v45;
	v5 =	vmax.f32 v3, $1.000000000e-30  }
0x13a: {  	v20 =	vmax.f32 v2, $1.000000000e-30;
	v18 =	vshra.s32 v5, $0x1;
	v5 =	vmul.f32 $5.000000000e-01, v5  }
0x13b: {  	v27 =	vld [tilespmem:$0x1FF30];
	v21 =	vshra.s32 v20, $0x1;
	v6 =	vmul.f32 $5.000000000e-01, v20;
	v1 =	vsub.s32 $0x5F3759DF, v18  }
0x13c: {  	v34 =	vld [tilespmem:$0x1FF80];
	v7 =	vmul.f32 v19, v24;
	(xrf2) =	vadd.scan.msk.f32 $0xffff, v0;
	v8 =	vsub.s32 $0x5F3759DF, v21;
	v22 =	vmul.f32 v1, v5  }
0x13d: {  	v31 =	vld [tilespmem:$0x1FF20];
	v12 =	vmul.f32 v26, v28;
	v23 =	vmul.f32 v8, v6  }
0x13e: {  	v7 =	vadd.f32 v7, v29;
	v4 =	vadd.f32 v9, v4;
	v11 =	vmul.f32 v1, v22  }
0x13f: {  	v37 =	vld [tilespmem:$0x1FF10];
	v32, _, _ =	vpop (xrf2);
	v0 =	vmul.f32 v8, v23  }
0x140: {  	v10 =	vmul.f32 v10, v27;
	v7 =	vadd.f32 v12, v7;
	v33, _, _ =	vpop (xrf2);
	(xrf2) =	vadd.scan.msk.f32 $0xffff, v4;
	v11 =	vsub.f32 $1.500000000e+00, v11  }
0x141: {  	v40 =	vld [tilespmem:$0x1FF00];
	v12 =	vmul.f32 v25, v34;
	v44 =	vbroadcast v32, $0xF;
	v35, _, _ =	vpop (xrf2);
	v0 =	vsub.f32 $1.500000000e+00, v0  }
0x142: {  	v10 =	vadd.f32 v10, v31;
	v38, _, _ =	vpop (xrf2);
	v39 =	vbroadcast v35, $0xF;
	v1 =	vmul.f32 v1, v11  }
0x143: {  	v7 =	vadd.f32 v12, v7;
	v0 =	vmul.f32 v8, v0;
	v8 =	vbroadcast v38, $0xF  }
0x144: {  	v50 =	vld [tilespmem:$0x1FFE0];
	v10 =	vadd.f32 v37, v10;
	v4 =	vbroadcast v33, $0xF;
	v41 =	vmul.f32 v1, v5  }
0x145: {  	v52 =	vld [tilespmem:$0x1FFD0];
	v45 =	vbroadcast v36, $0xF;
	(xrf2) =	vadd.scan.msk.f32 $0xffff, v7;
	v42 =	vsel vm0, v39, v8;
	v43 =	vmul.f32 v0, v6  }
0x146: {  	v10 =	vadd.f32 v40, v10;
	v47, _, _ =	vpop (xrf2);
	v4 =	vsel vm1, v42, v4;
	v46 =	vmul.f32 v41, v1  }
0x147: {  	v55 =	vld [tilespmem:$0x1FFC0];
	v48 =	vbroadcast v47, $0xF;
	v4 =	vsel vm2, v4, v44;
	v8 =	vmul.f32 v43, v0  }
0x148: {  	v49 =	vbroadcast v30, $0xF;
	v56 =	vld [tilespmem:$0x1FFB0];
	v4 =	vsel vm3, v4, v45;
	v7 =	vsub.f32 $1.500000000e+00, v46  }
0x149: {  	v51 =	vbroadcast v50, $0xF;
	v57 =	vld [tilespmem:$0x1FFA0];
	(xrf2) =	vadd.scan.msk.f32 $0xffff, v10;
	v4 =	vsel vm4, v4, v48;
	v8 =	vsub.f32 $1.500000000e+00, v8  }
0x14a: {  	v53 =	vbroadcast v52, $0xF;
	v54, _, _ =	vpop (xrf2);
	v4 =	vsel vm5, v4, v49;
	v1 =	vmul.f32 v7, v1  }
0x14b: {  	v0 =	vmul.f32 v8, v0;
	v4 =	vsel vm6, v4, v51;
	v7 =	vbroadcast v54, $0xF  }
0x14c: {  	v59 =	vld [tilespmem:$0x1FF90];
	v8 =	vbroadcast v55, $0xF;
	v4 =	vsel vm7, v4, v53;
	v5 =	vmul.f32 v1, v5  }
0x14d: {  	v4 =	vsel vm8, v4, v7;
	v6 =	vmul.f32 v0, v6;
	v7 =	vbroadcast v56, $0xF  }
0x14e: {  	v4 =	vsel vm9, v4, v8;
	v8 =	vbroadcast v57, $0xF  }
0x14f: {  	v58, _, _ =	vpop (xrf2);
	v5 =	vmul.f32 v5, v1;
	v6 =	vmul.f32 v6, v0;
	v4 =	vsel vm10, v4, v7  }
0x150: {  	v7 =	vbroadcast v58, $0xF;
	v4 =	vsel vm11, v4, v8  }
0x151: {  	v8 =	vbroadcast v59, $0xF;
	v5 =	vsub.f32 $1.500000000e+00, v5;
	v6 =	vsub.f32 $1.500000000e+00, v6  }
0x152: {  	v4 =	vsel vm12, v4, v7  }
0x153: {  	v60, _, _ =	vpop (xrf2);
	v4 =	vsel vm13, v4, v8;
	v1 =	vmul.f32 v5, v1;
	v0 =	vmul.f32 v6, v0  }
0x154: {  	v4 =	vsel vm14, v4, v60  }
0x155: {  	v4 =	vadd.f32 v4, v4;
	v1 =	vmin.f32 v1, $9.999999950e+11;
	v0 =	vmin.f32 v0, $9.999999950e+11  }
0x156: {  	v3 =	vmul.f32 v1, v3;
	v2 =	vmul.f32 v0, v2  }
0x157: {  	v4 =	vmul.f32 v1, v4  }
0x158: {  	v1 =	vmul.f32 v3, v1;
	v2 =	vmul.f32 v2, v0;
	_ =	sdelay $0x1  }
0x159: {  	s31 =	sadd.s32 s12, s8;
	v61 =	vlaneseq.u32;
	v63 =	vld [tilespmem:$0x1FFF0];
	v0 =	vmul.f32 v4, v0;
	v1 =	vadd.f32 v1, v2  }
0x15a: {  	v2 =	vor.u32 s31, v61  }
0x15b: {  	v62 =	vand.u32 $0x3FF, v2;
	v0 =	vsub.f32 v1, v0  }
0x15c: {  	vm15 =	veq.s32 v62, $0x0  }
0x15d: {  	v0 =	vsel vm15, $0x0, v0  }
0x15e: {  	s10 =	sadd.s32 $0x1, s10;
	v0 =	vadd.f32 v0, v63  }
0x15f: {  	p2 =	sne.s32 s10, s7  }
.Ltmp1:
0x160: {  	[tilespmem:$0x10400] =	vst v0;
	(pc) =	sbr.rel @p2 .LBB2_1-.Ltmp1, $4  }
0x161: {  	[hbm4b:s6+s2] =	stream.linear.scatter [tilespmem:s9], [sflag:$0x1], $0x80, $0x38;
	[tilespmem:$0x10480] =	vst v63  }
0x162: {  	_ =	swait.ge [sflag:s3], $0x80  }
0x163: {  	[sflag:s3] =	ssyncset.done $0x0  }
0x164: {  	[sflag:s3] =	ssyncadd.s32 $0xFFFFFF80  }
0x165: {  	_ =	sfence.sel $0x180000  }
0x166: {  	[bflag:$0x0] =	sbarrier.arrive $0xFFFF  }
0x167: {  	p0 =	sne.s32 s1, $0x0;
	_ =	strace $0x90000047  }
0x168: {  	s0 =	sadd.s32 @!p0 $0x100000, s0;
	[bflag:$0x2] =	sbarrier.arrive $0xFFFF  }
0x169: {  	[sflag:s0] =	ssyncadd.tile.s32 @!p0 $0x1;
	_ =	shalt  }
.Lfunc_end2:
_tile_overlayer_lowered:
.L_overlay_start_2:
0x16a: {  	(tag) =	ssettag $0x2  }
0x16b: {  	s0 =	rddreg [dreg:$0x0];
	s2 =	stileid.u32  }
0x16c: {  	s1 =	rddreg [dreg:$0x1];
	p0 =	sne.s32 s2, $0x0  }
0x16d: {  	s3 =	rddreg [dreg:$0x2];
	[bflag:$0x3] =	sbarrier.arrive $0xFFFF;
	s2 =	simm.s32 @!p0 $0x1C01  }
0x16e: {  	[timem:s3], [sflag:s2] =	dma.local @!p0 [hbm:s0], s1  }
0x16f: {  	s0 =	simm.s32 @!p0 $0x1  }
0x170: {  	_ =	swait.ge @!p0 [sflag:s0], s1  }
0x171: {  	s1 =	ssub.s32 @!p0 $0x0, s1;
	[sflag:s0] =	ssyncset.done @!p0 $0x0  }
0x172: {  	[sflag:s0] =	ssyncadd.s32 @!p0 s1  }
0x173: {  	[bflag:$0x3] =	sbarrier.arrive $0xFFFF  }
0x174: {  	_ =	shalt  }

</sc_bundles>
